<compile_context>
chip_gen: v7x
topology: tpu7x:2x2x1
jax: 0.10.2.dev20260603
libtpu: 0.0.44.dev20260713+nightly
codegen_flags: <defaults>
</compile_context>

<pallas_src>
import functools

import jax
import jax.numpy as jnp
from jax import lax
from jax.experimental import pallas as pl
from jax.experimental.pallas import tpu as pltpu
from jax.experimental.pallas import tpu_sc as plsc

W = 24
HIDDEN = 768
NUM_POS = W * W + 1
N = 131072

NC = 2
NS = 16
NW = NC * NS
ROWS_PER_WORKER = N // NW
CHUNK = 32
NCHUNKS = ROWS_PER_WORKER // CHUNK
NBUF = 4
NJ = NCHUNKS // NBUF
NREP = 4

_mesh = plsc.VectorSubcoreMesh(core_axis_name="c", subcore_axis_name="s")


@functools.partial(
    pl.kernel,
    mesh=_mesh,
    out_type=jax.ShapeDtypeStruct((N, HIDDEN), jnp.float32),
    scratch_types=[
        pltpu.VMEM((ROWS_PER_WORKER,), jnp.float32),
        pltpu.VMEM((ROWS_PER_WORKER,), jnp.float32),
    ] + [pltpu.VMEM((CHUNK,), jnp.int32) for _ in range(NBUF)]
      + [pltpu.VMEM((CHUNK, HIDDEN), jnp.float32) for _ in range(NBUF)]
      + [pltpu.SemaphoreType.DMA for _ in range(2 * NBUF)],
)
def _pos_embed_gather(pos_hbm, table_hbm, out_hbm, xbuf, ybuf, *bufs):
    idxb = bufs[:NBUF]
    rowb = bufs[NBUF:2 * NBUF]
    gsem = bufs[2 * NBUF:3 * NBUF]
    osem = bufs[3 * NBUF:]

    cid = lax.axis_index("c")
    sid = lax.axis_index("s")
    wid = sid * NC + cid
    base = wid * ROWS_PER_WORKER
    rep_off = (wid % NREP) * NUM_POS

    pltpu.sync_copy(pos_hbm.at[0, pl.ds(base, ROWS_PER_WORKER)], xbuf)
    pltpu.sync_copy(pos_hbm.at[1, pl.ds(base, ROWS_PER_WORKER)], ybuf)

    def compute_idx(ci, b):
        def idx_body(i, c):
            x = xbuf[pl.ds(ci * CHUNK + i * 16, 16)]
            y = ybuf[pl.ds(ci * CHUNK + i * 16, 16)]
            fx = (x * 24.0).astype(jnp.int32)
            fy = (y * 24.0).astype(jnp.int32)
            idxb[b][pl.ds(i * 16, 16)] = fx * 24 + fy + 1 + rep_off
            return c
        lax.fori_loop(0, CHUNK // 16, idx_body, 0, unroll=True)

    def out_slice(ci):
        return out_hbm.at[pl.ds(base + ci * CHUNK, CHUNK)]

    def finish(ci, b):
        pltpu.make_async_copy(table_hbm.at[idxb[b]], rowb[b], gsem[b]).wait()
        pltpu.async_copy(rowb[b], out_slice(ci), osem[b])

    def ring_body(j, carry):
        for b in range(NBUF):
            ci = NBUF * j + b

            @pl.when(j > 0)
            def _reclaim():
                pltpu.make_async_copy(rowb[b], out_slice(ci - NBUF), osem[b]).wait()

            compute_idx(ci, b)
            pltpu.async_copy(table_hbm.at[idxb[b]], rowb[b], gsem[b])

            pb = (b + 1) % NBUF
            pci = ci - (NBUF - 1)
            if b == NBUF - 1:
                finish(pci, pb)
            else:
                @pl.when(j > 0)
                def _fin():
                    finish(pci, pb)
        return carry

    lax.fori_loop(0, NJ, ring_body, 0)

    for t in range(NBUF - 1):
        pci = NCHUNKS - (NBUF - 1) + t
        finish(pci, pci % NBUF)
    for b in range(NBUF):
        pltpu.make_async_copy(
            rowb[b], out_slice(NCHUNKS - NBUF + b), osem[b]).wait()


def kernel(pos, positional_embeddings):
    table = positional_embeddings.reshape(NUM_POS, HIDDEN)
    table_rep = jnp.broadcast_to(table, (NREP, NUM_POS, HIDDEN))
    table_rep = table_rep.reshape(NREP * NUM_POS, HIDDEN)
    out = _pos_embed_gather(pos.T, table_rep)
    return out.reshape(1, N, HIDDEN)

# --- scband reference (transcript-rebuilt; emitter-appended) ---
"""Pipeline reference for scband-uv-pos-embedding-19877108646178 (READ-ONLY COPY).

The authoritative reference and input builder live on the scoring server;
editing this copy changes nothing except your own understanding.
"""

import jax, jax.numpy as jnp
import numpy as np

HIDDEN = 768
PATCH = 16
IMG = 384
W = IMG // PATCH  # 24
NUM_POS = W * W + 1  # 577
N = 131072

def setup_inputs(seed: int = 0) -> dict:
    key = jax.random.key(seed)
    k1, k2 = jax.random.split(key)
    pos = jax.random.uniform(k1, (N, 2), dtype=jnp.float32)
    positional_embeddings = jax.random.normal(k2, (1, NUM_POS, HIDDEN), dtype=jnp.float32) * 0.02
    return {"pos": pos, "positional_embeddings": positional_embeddings}

def reference(pos, positional_embeddings):
    p = jnp.floor(pos * W)
    idx = (p[:, 0] * W + p[:, 1] + 1.0).astype(jnp.int32)
    out = positional_embeddings[:, idx]  # [1, N, HIDDEN]
    return out

if __name__ == "__main__":
    import jax
    _d = setup_inputs()
    print(jax.jit(kernel)(*tuple(_d.values())))

</pallas_src>

<mosaic_0001>
#map = affine_map<(d0, d1) -> (0, 0)>
module attributes {stable_mosaic.version = 14 : i64} {
  func.func @_pos_embed_gather(%arg0: i32, %arg1: i32, %arg2: memref<2x131072xf32, #tpu.memory_space<hbm>>, %arg3: memref<2308x768xf32, #tpu.memory_space<hbm>>, %arg4: memref<131072x768xf32, #tpu.memory_space<hbm>>, %arg5: memref<4096xf32, #tpu.memory_space<vmem>>, %arg6: memref<4096xf32, #tpu.memory_space<vmem>>, %arg7: memref<32xi32, #tpu.memory_space<vmem>>, %arg8: memref<32xi32, #tpu.memory_space<vmem>>, %arg9: memref<32xi32, #tpu.memory_space<vmem>>, %arg10: memref<32xi32, #tpu.memory_space<vmem>>, %arg11: memref<32x768xf32, #tpu.memory_space<vmem>>, %arg12: memref<32x768xf32, #tpu.memory_space<vmem>>, %arg13: memref<32x768xf32, #tpu.memory_space<vmem>>, %arg14: memref<32x768xf32, #tpu.memory_space<vmem>>, %arg15: memref<!tpu.dma_semaphore, #tpu.memory_space<semaphore_mem>>, %arg16: memref<!tpu.dma_semaphore, #tpu.memory_space<semaphore_mem>>, %arg17: memref<!tpu.dma_semaphore, #tpu.memory_space<semaphore_mem>>, %arg18: memref<!tpu.dma_semaphore, #tpu.memory_space<semaphore_mem>>, %arg19: memref<!tpu.dma_semaphore, #tpu.memory_space<semaphore_mem>>, %arg20: memref<!tpu.dma_semaphore, #tpu.memory_space<semaphore_mem>>, %arg21: memref<!tpu.dma_semaphore, #tpu.memory_space<semaphore_mem>>, %arg22: memref<!tpu.dma_semaphore, #tpu.memory_space<semaphore_mem>>) attributes {dimension_semantics = [#tpu.dimension_semantics<core_parallel>, #tpu.dimension_semantics<subcore_parallel>], iteration_bounds = array<i64: 2, 16>, scalar_prefetch = 0 : i64, scratch_operands = 18 : i64, tpu.core_type = #tpu.core_type<sc_vector_subcore>, window_params = [{transform_indices = #map}, {transform_indices = #map}, {transform_indices = #map}]} {
    %mul3A = arith.constant 2 : i32
    %mul3A_0 = arith.muli %arg1, %mul3A : i32
    %add3A = arith.addi %mul3A_0, %arg0 : i32
    %mul3A_1 = arith.constant 4096 : i32
    %mul3A_2 = arith.muli %add3A, %mul3A_1 : i32
    %jit3A = arith.constant 4 : i32
    %eq3A = arith.constant 0 : i32
    %eq3A_3 = arith.cmpi eq, %jit3A, %eq3A : i32
    %jit3A_4 = arith.constant 1 : i32
    %select_n3A = arith.select %eq3A_3, %jit3A_4, %jit3A : i32
    %rem3A = arith.remsi %add3A, %select_n3A : i32
    %ne3A = arith.constant 0 : i32
    %ne3A_5 = arith.cmpi ne, %rem3A, %ne3A : i32
    %lt3A = arith.constant 0 : i32
    %lt3A_6 = arith.cmpi slt, %rem3A, %lt3A : i32
    %lt3A_7 = arith.constant 0 : i32
    %lt3A_8 = arith.cmpi slt, %select_n3A, %lt3A_7 : i32
    %ne3A_9 = arith.xori %lt3A_6, %lt3A_8 : i1
    %and3A = arith.andi %ne3A_9, %ne3A_5 : i1
    %add3A_10 = arith.addi %rem3A, %select_n3A : i32
    %select_n3A_11 = arith.select %and3A, %add3A_10, %rem3A : i32
    %mul3A_12 = arith.constant 577 : i32
    %mul3A_13 = arith.muli %select_n3A_11, %mul3A_12 : i32
    %run_scoped3A = arith.constant 0 : i32
    "tpu.region"() ({
      %run_scoped3A_69 = tpu.sem_alloc : memref<!tpu.dma_semaphore, #tpu.memory_space<semaphore_mem>>
      %dma_start3A_70 = tpu.memref_slice %arg2[%run_scoped3A, %mul3A_2] : memref<2x131072xf32, #tpu.memory_space<hbm>> -> memref<1x4096xf32, #tpu.memory_space<hbm>>
      %dma_start3A_71 = tpu.memref_squeeze %dma_start3A_70 : memref<1x4096xf32, #tpu.memory_space<hbm>> -> memref<4096xf32, #tpu.memory_space<hbm>>
      %dma_start3A_72 = tpu.memref_slice %arg2[%run_scoped3A, %mul3A_2] : memref<2x131072xf32, #tpu.memory_space<hbm>> -> memref<1x4096xf32, #tpu.memory_space<hbm>>
      %dma_start3A_73 = tpu.memref_squeeze %dma_start3A_72 : memref<1x4096xf32, #tpu.memory_space<hbm>> -> memref<4096xf32, #tpu.memory_space<hbm>>
      tpu.enqueue_dma source(%dma_start3A_73 : memref<4096xf32, #tpu.memory_space<hbm>>) target(%arg5 : memref<4096xf32, #tpu.memory_space<vmem>>) target_semaphore(%run_scoped3A_69 : memref<!tpu.dma_semaphore, #tpu.memory_space<semaphore_mem>>)
      %dma_wait3A_74 = tpu.memref_slice %arg2[%run_scoped3A, %mul3A_2] : memref<2x131072xf32, #tpu.memory_space<hbm>> -> memref<1x4096xf32, #tpu.memory_space<hbm>>
      %dma_wait3A_75 = tpu.memref_squeeze %dma_wait3A_74 : memref<1x4096xf32, #tpu.memory_space<hbm>> -> memref<4096xf32, #tpu.memory_space<hbm>>
      %dma_wait3A_76 = tpu.memref_slice %arg2[%run_scoped3A, %mul3A_2] : memref<2x131072xf32, #tpu.memory_space<hbm>> -> memref<1x4096xf32, #tpu.memory_space<hbm>>
      %dma_wait3A_77 = tpu.memref_squeeze %dma_wait3A_76 : memref<1x4096xf32, #tpu.memory_space<hbm>> -> memref<4096xf32, #tpu.memory_space<hbm>>
      tpu.wait_dma2 semaphore(%run_scoped3A_69 : memref<!tpu.dma_semaphore, #tpu.memory_space<semaphore_mem>>) src(%dma_wait3A_77 : memref<4096xf32, #tpu.memory_space<hbm>>) dst(%arg5 : memref<4096xf32, #tpu.memory_space<vmem>>)
      tpu.yield
    }) : () -> ()
    %run_scoped3A_14 = arith.constant 1 : i32
    "tpu.region"() ({
      %run_scoped3A_69 = tpu.sem_alloc : memref<!tpu.dma_semaphore, #tpu.memory_space<semaphore_mem>>
      %dma_start3A_70 = tpu.memref_slice %arg2[%run_scoped3A_14, %mul3A_2] : memref<2x131072xf32, #tpu.memory_space<hbm>> -> memref<1x4096xf32, #tpu.memory_space<hbm>>
      %dma_start3A_71 = tpu.memref_squeeze %dma_start3A_70 : memref<1x4096xf32, #tpu.memory_space<hbm>> -> memref<4096xf32, #tpu.memory_space<hbm>>
      %dma_start3A_72 = tpu.memref_slice %arg2[%run_scoped3A_14, %mul3A_2] : memref<2x131072xf32, #tpu.memory_space<hbm>> -> memref<1x4096xf32, #tpu.memory_space<hbm>>
      %dma_start3A_73 = tpu.memref_squeeze %dma_start3A_72 : memref<1x4096xf32, #tpu.memory_space<hbm>> -> memref<4096xf32, #tpu.memory_space<hbm>>
      tpu.enqueue_dma source(%dma_start3A_73 : memref<4096xf32, #tpu.memory_space<hbm>>) target(%arg6 : memref<4096xf32, #tpu.memory_space<vmem>>) target_semaphore(%run_scoped3A_69 : memref<!tpu.dma_semaphore, #tpu.memory_space<semaphore_mem>>)
      %dma_wait3A_74 = tpu.memref_slice %arg2[%run_scoped3A_14, %mul3A_2] : memref<2x131072xf32, #tpu.memory_space<hbm>> -> memref<1x4096xf32, #tpu.memory_space<hbm>>
      %dma_wait3A_75 = tpu.memref_squeeze %dma_wait3A_74 : memref<1x4096xf32, #tpu.memory_space<hbm>> -> memref<4096xf32, #tpu.memory_space<hbm>>
      %dma_wait3A_76 = tpu.memref_slice %arg2[%run_scoped3A_14, %mul3A_2] : memref<2x131072xf32, #tpu.memory_space<hbm>> -> memref<1x4096xf32, #tpu.memory_space<hbm>>
      %dma_wait3A_77 = tpu.memref_squeeze %dma_wait3A_76 : memref<1x4096xf32, #tpu.memory_space<hbm>> -> memref<4096xf32, #tpu.memory_space<hbm>>
      tpu.wait_dma2 semaphore(%run_scoped3A_69 : memref<!tpu.dma_semaphore, #tpu.memory_space<semaphore_mem>>) src(%dma_wait3A_77 : memref<4096xf32, #tpu.memory_space<hbm>>) dst(%arg6 : memref<4096xf32, #tpu.memory_space<vmem>>)
      tpu.yield
    }) : () -> ()
    %scan3A = arith.constant 0 : i32
    %scan3A_15 = arith.constant 0 : i32
    %scan3A_16 = arith.constant 32 : i32
    %scan3A_17 = arith.addi %scan3A_15, %scan3A_16 : i32
    %scan3A_18 = arith.constant 1 : i32
    scf.for %scan3A_69 = %scan3A_15 to %scan3A_17 step %scan3A_18  : i32 {
      %mul3A_70 = arith.constant 4 : i32
      %mul3A_71 = arith.muli %mul3A_70, %scan3A_69 : i32
      %add3A_72 = arith.constant 0 : i32
      %add3A_73 = arith.addi %mul3A_71, %add3A_72 : i32
      %gt3A = arith.constant 0 : i32
      %gt3A_74 = arith.cmpi sgt, %scan3A_69, %gt3A : i32
      %convert_element_type3A = arith.extui %gt3A_74 : i1 to i32
      %cond3A = arith.constant 0 : i32
      %cond3A_75 = arith.cmpi ne, %convert_element_type3A, %cond3A : i32
      scf.if %cond3A_75 {
        %sub3A_473 = arith.constant 4 : i32
        %sub3A_474 = arith.subi %add3A_73, %sub3A_473 : i32
        %mul3A_475 = arith.constant 32 : i32
        %mul3A_476 = arith.muli %sub3A_474, %mul3A_475 : i32
        %add3A_477 = arith.addi %mul3A_2, %mul3A_476 : i32
        %dma_wait3A_478 = arith.constant 0 : i32
        %dma_wait3A_479 = tpu.memref_slice %arg4[%add3A_477, %dma_wait3A_478] : memref<131072x768xf32, #tpu.memory_space<hbm>> -> memref<32x768xf32, #tpu.memory_space<hbm>>
        %dma_wait3A_480 = arith.constant 0 : i32
        %dma_wait3A_481 = tpu.memref_slice %arg4[%add3A_477, %dma_wait3A_480] : memref<131072x768xf32, #tpu.memory_space<hbm>> -> memref<32x768xf32, #tpu.memory_space<hbm>>
        tpu.wait_dma2 semaphore(%arg19 : memref<!tpu.dma_semaphore, #tpu.memory_space<semaphore_mem>>) src(%arg11 : memref<32x768xf32, #tpu.memory_space<vmem>>) dst(%dma_wait3A_481 : memref<32x768xf32, #tpu.memory_space<hbm>>)
      } else {
      }
      %scan3A_76 = arith.constant 0 : i32
      %scan3A_77 = arith.constant 0 : i32
      %mul3A_78 = arith.constant 32 : i32
      %mul3A_79 = arith.muli %add3A_73, %mul3A_78 : i32
      %mul3A_80 = arith.constant 16 : i32
      %mul3A_81 = arith.muli %scan3A_77, %mul3A_80 : i32
      %add3A_82 = arith.addi %mul3A_79, %mul3A_81 : i32
      %get3A = arith.index_cast %add3A_82 : i32 to index
      %get3A_83 = tpu.vector_load %arg5[%get3A] {strides = array<i32>} : memref<4096xf32, #tpu.memory_space<vmem>>, vector<16xf32>,
      %get3A_84 = vector.shape_cast %get3A_83 : vector<16xf32> to vector<16xf32>
      %mul3A_85 = arith.constant 32 : i32
      %mul3A_86 = arith.muli %add3A_73, %mul3A_85 : i32
      %mul3A_87 = arith.constant 16 : i32
      %mul3A_88 = arith.muli %scan3A_77, %mul3A_87 : i32
      %add3A_89 = arith.addi %mul3A_86, %mul3A_88 : i32
      %get3A_90 = arith.index_cast %add3A_89 : i32 to index
      %get3A_91 = tpu.vector_load %arg6[%get3A_90] {strides = array<i32>} : memref<4096xf32, #tpu.memory_space<vmem>>, vector<16xf32>,
      %get3A_92 = vector.shape_cast %get3A_91 : vector<16xf32> to vector<16xf32>
      %mul3A_93 = arith.constant 2.400000e+01 : f32
      %mul3A_94 = vector.broadcast %mul3A_93 : f32 to vector<16xf32>
      %mul3A_95 = arith.mulf %get3A_84, %mul3A_94 : vector<16xf32>
      %convert_element_type3A_96 = arith.fptosi %mul3A_95 : vector<16xf32> to vector<16xi32>
      %mul3A_97 = arith.constant 2.400000e+01 : f32
      %mul3A_98 = vector.broadcast %mul3A_97 : f32 to vector<16xf32>
      %mul3A_99 = arith.mulf %get3A_92, %mul3A_98 : vector<16xf32>
      %convert_element_type3A_100 = arith.fptosi %mul3A_99 : vector<16xf32> to vector<16xi32>
      %mul3A_101 = arith.constant 24 : i32
      %mul3A_102 = vector.broadcast %mul3A_101 : i32 to vector<16xi32>
      %mul3A_103 = arith.muli %convert_element_type3A_96, %mul3A_102 : vector<16xi32>
      %add3A_104 = arith.addi %mul3A_103, %convert_element_type3A_100 : vector<16xi32>
      %add3A_105 = arith.constant 1 : i32
      %add3A_106 = vector.broadcast %add3A_105 : i32 to vector<16xi32>
      %add3A_107 = arith.addi %add3A_104, %add3A_106 : vector<16xi32>
      %add3A_108 = vector.broadcast %mul3A_13 : i32 to vector<16xi32>
      %add3A_109 = arith.addi %add3A_107, %add3A_108 : vector<16xi32>
      %mul3A_110 = arith.constant 16 : i32
      %mul3A_111 = arith.muli %scan3A_77, %mul3A_110 : i32
      %swap3A = arith.index_cast %mul3A_111 : i32 to index
      %swap3A_112 = tpu.vector_load %arg7[%swap3A] {strides = array<i32>} : memref<32xi32, #tpu.memory_space<vmem>>, vector<16xi32>,
      %swap3A_113 = vector.shape_cast %swap3A_112 : vector<16xi32> to vector<16xi32>
      %swap3A_114 = vector.shape_cast %add3A_109 : vector<16xi32> to vector<16xi32>
      tpu.vector_store %arg7[%swap3A], %swap3A_114 {strides = array<i32>} : memref<32xi32, #tpu.memory_space<vmem>>, vector<16xi32>,
      %scan3A_115 = arith.constant 1 : i32
      %mul3A_116 = arith.constant 32 : i32
      %mul3A_117 = arith.muli %add3A_73, %mul3A_116 : i32
      %mul3A_118 = arith.constant 16 : i32
      %mul3A_119 = arith.muli %scan3A_115, %mul3A_118 : i32
      %add3A_120 = arith.addi %mul3A_117, %mul3A_119 : i32
      %get3A_121 = arith.index_cast %add3A_120 : i32 to index
      %get3A_122 = tpu.vector_load %arg5[%get3A_121] {strides = array<i32>} : memref<4096xf32, #tpu.memory_space<vmem>>, vector<16xf32>,
      %get3A_123 = vector.shape_cast %get3A_122 : vector<16xf32> to vector<16xf32>
      %mul3A_124 = arith.constant 32 : i32
      %mul3A_125 = arith.muli %add3A_73, %mul3A_124 : i32
      %mul3A_126 = arith.constant 16 : i32
      %mul3A_127 = arith.muli %scan3A_115, %mul3A_126 : i32
      %add3A_128 = arith.addi %mul3A_125, %mul3A_127 : i32
      %get3A_129 = arith.index_cast %add3A_128 : i32 to index
      %get3A_130 = tpu.vector_load %arg6[%get3A_129] {strides = array<i32>} : memref<4096xf32, #tpu.memory_space<vmem>>, vector<16xf32>,
      %get3A_131 = vector.shape_cast %get3A_130 : vector<16xf32> to vector<16xf32>
      %mul3A_132 = arith.constant 2.400000e+01 : f32
      %mul3A_133 = vector.broadcast %mul3A_132 : f32 to vector<16xf32>
      %mul3A_134 = arith.mulf %get3A_123, %mul3A_133 : vector<16xf32>
      %convert_element_type3A_135 = arith.fptosi %mul3A_134 : vector<16xf32> to vector<16xi32>
      %mul3A_136 = arith.constant 2.400000e+01 : f32
      %mul3A_137 = vector.broadcast %mul3A_136 : f32 to vector<16xf32>
      %mul3A_138 = arith.mulf %get3A_131, %mul3A_137 : vector<16xf32>
      %convert_element_type3A_139 = arith.fptosi %mul3A_138 : vector<16xf32> to vector<16xi32>
      %mul3A_140 = arith.constant 24 : i32
      %mul3A_141 = vector.broadcast %mul3A_140 : i32 to vector<16xi32>
      %mul3A_142 = arith.muli %convert_element_type3A_135, %mul3A_141 : vector<16xi32>
      %add3A_143 = arith.addi %mul3A_142, %convert_element_type3A_139 : vector<16xi32>
      %add3A_144 = arith.constant 1 : i32
      %add3A_145 = vector.broadcast %add3A_144 : i32 to vector<16xi32>
      %add3A_146 = arith.addi %add3A_143, %add3A_145 : vector<16xi32>
      %add3A_147 = vector.broadcast %mul3A_13 : i32 to vector<16xi32>
      %add3A_148 = arith.addi %add3A_146, %add3A_147 : vector<16xi32>
      %mul3A_149 = arith.constant 16 : i32
      %mul3A_150 = arith.muli %scan3A_115, %mul3A_149 : i32
      %swap3A_151 = arith.index_cast %mul3A_150 : i32 to index
      %swap3A_152 = tpu.vector_load %arg7[%swap3A_151] {strides = array<i32>} : memref<32xi32, #tpu.memory_space<vmem>>, vector<16xi32>,
      %swap3A_153 = vector.shape_cast %swap3A_152 : vector<16xi32> to vector<16xi32>
      %swap3A_154 = vector.shape_cast %add3A_148 : vector<16xi32> to vector<16xi32>
      tpu.vector_store %arg7[%swap3A_151], %swap3A_154 {strides = array<i32>} : memref<32xi32, #tpu.memory_space<vmem>>, vector<16xi32>,
      %scan3A_155 = arith.constant 2 : i32
      %dma_start3A_156 = arith.constant 0 : i32
      %dma_start3A_157 = arith.constant 0 : i32
      %dma_start3A_158 = tpu.memref_slice %arg3[%dma_start3A_156, %dma_start3A_157] : memref<2308x768xf32, #tpu.memory_space<hbm>> -> memref<2308x768xf32, #tpu.memory_space<hbm>>
      tpu.enqueue_indirect_dma source(%dma_start3A_158 : memref<2308x768xf32, #tpu.memory_space<hbm>>) target(%arg11 : memref<32x768xf32, #tpu.memory_space<vmem>>) offsets(%arg7 : memref<32xi32, #tpu.memory_space<vmem>>) semaphore(%arg15 : memref<!tpu.dma_semaphore, #tpu.memory_space<semaphore_mem>>)
      %sub3A = arith.constant 3 : i32
      %sub3A_159 = arith.subi %add3A_73, %sub3A : i32
      %gt3A_160 = arith.constant 0 : i32
      %gt3A_161 = arith.cmpi sgt, %scan3A_69, %gt3A_160 : i32
      %convert_element_type3A_162 = arith.extui %gt3A_161 : i1 to i32
      %cond3A_163 = arith.constant 0 : i32
      %cond3A_164 = arith.cmpi ne, %convert_element_type3A_162, %cond3A_163 : i32
      scf.if %cond3A_164 {
        %dma_wait3A_473 = arith.constant 0 : i32
        %dma_wait3A_474 = arith.constant 0 : i32
        %dma_wait3A_475 = tpu.memref_slice %arg3[%dma_wait3A_473, %dma_wait3A_474] : memref<2308x768xf32, #tpu.memory_space<hbm>> -> memref<2308x768xf32, #tpu.memory_space<hbm>>
        tpu.wait_indirect_dma semaphore(%arg16 : memref<!tpu.dma_semaphore, #tpu.memory_space<semaphore_mem>>) src(%dma_wait3A_475 : memref<2308x768xf32, #tpu.memory_space<hbm>>) dst(%arg12 : memref<32x768xf32, #tpu.memory_space<vmem>>)
        %mul3A_476 = arith.constant 32 : i32
        %mul3A_477 = arith.muli %sub3A_159, %mul3A_476 : i32
        %add3A_478 = arith.addi %mul3A_2, %mul3A_477 : i32
        %dma_start3A_479 = arith.constant 0 : i32
        %dma_start3A_480 = tpu.memref_slice %arg4[%add3A_478, %dma_start3A_479] : memref<131072x768xf32, #tpu.memory_space<hbm>> -> memref<32x768xf32, #tpu.memory_space<hbm>>
        %dma_start3A_481 = arith.constant 0 : i32
        %dma_start3A_482 = tpu.memref_slice %arg4[%add3A_478, %dma_start3A_481] : memref<131072x768xf32, #tpu.memory_space<hbm>> -> memref<32x768xf32, #tpu.memory_space<hbm>>
        tpu.enqueue_dma source(%arg12 : memref<32x768xf32, #tpu.memory_space<vmem>>) target(%dma_start3A_482 : memref<32x768xf32, #tpu.memory_space<hbm>>) target_semaphore(%arg20 : memref<!tpu.dma_semaphore, #tpu.memory_space<semaphore_mem>>)
      } else {
      }
      %mul3A_165 = arith.constant 4 : i32
      %mul3A_166 = arith.muli %mul3A_165, %scan3A_69 : i32
      %add3A_167 = arith.constant 1 : i32
      %add3A_168 = arith.addi %mul3A_166, %add3A_167 : i32
      %gt3A_169 = arith.constant 0 : i32
      %gt3A_170 = arith.cmpi sgt, %scan3A_69, %gt3A_169 : i32
      %convert_element_type3A_171 = arith.extui %gt3A_170 : i1 to i32
      %cond3A_172 = arith.constant 0 : i32
      %cond3A_173 = arith.cmpi ne, %convert_element_type3A_171, %cond3A_172 : i32
      scf.if %cond3A_173 {
        %sub3A_473 = arith.constant 4 : i32
        %sub3A_474 = arith.subi %add3A_168, %sub3A_473 : i32
        %mul3A_475 = arith.constant 32 : i32
        %mul3A_476 = arith.muli %sub3A_474, %mul3A_475 : i32
        %add3A_477 = arith.addi %mul3A_2, %mul3A_476 : i32
        %dma_wait3A_478 = arith.constant 0 : i32
        %dma_wait3A_479 = tpu.memref_slice %arg4[%add3A_477, %dma_wait3A_478] : memref<131072x768xf32, #tpu.memory_space<hbm>> -> memref<32x768xf32, #tpu.memory_space<hbm>>
        %dma_wait3A_480 = arith.constant 0 : i32
        %dma_wait3A_481 = tpu.memref_slice %arg4[%add3A_477, %dma_wait3A_480] : memref<131072x768xf32, #tpu.memory_space<hbm>> -> memref<32x768xf32, #tpu.memory_space<hbm>>
        tpu.wait_dma2 semaphore(%arg20 : memref<!tpu.dma_semaphore, #tpu.memory_space<semaphore_mem>>) src(%arg12 : memref<32x768xf32, #tpu.memory_space<vmem>>) dst(%dma_wait3A_481 : memref<32x768xf32, #tpu.memory_space<hbm>>)
      } else {
      }
      %scan3A_174 = arith.constant 0 : i32
      %scan3A_175 = arith.constant 0 : i32
      %mul3A_176 = arith.constant 32 : i32
      %mul3A_177 = arith.muli %add3A_168, %mul3A_176 : i32
      %mul3A_178 = arith.constant 16 : i32
      %mul3A_179 = arith.muli %scan3A_175, %mul3A_178 : i32
      %add3A_180 = arith.addi %mul3A_177, %mul3A_179 : i32
      %get3A_181 = arith.index_cast %add3A_180 : i32 to index
      %get3A_182 = tpu.vector_load %arg5[%get3A_181] {strides = array<i32>} : memref<4096xf32, #tpu.memory_space<vmem>>, vector<16xf32>,
      %get3A_183 = vector.shape_cast %get3A_182 : vector<16xf32> to vector<16xf32>
      %mul3A_184 = arith.constant 32 : i32
      %mul3A_185 = arith.muli %add3A_168, %mul3A_184 : i32
      %mul3A_186 = arith.constant 16 : i32
      %mul3A_187 = arith.muli %scan3A_175, %mul3A_186 : i32
      %add3A_188 = arith.addi %mul3A_185, %mul3A_187 : i32
      %get3A_189 = arith.index_cast %add3A_188 : i32 to index
      %get3A_190 = tpu.vector_load %arg6[%get3A_189] {strides = array<i32>} : memref<4096xf32, #tpu.memory_space<vmem>>, vector<16xf32>,
      %get3A_191 = vector.shape_cast %get3A_190 : vector<16xf32> to vector<16xf32>
      %mul3A_192 = arith.constant 2.400000e+01 : f32
      %mul3A_193 = vector.broadcast %mul3A_192 : f32 to vector<16xf32>
      %mul3A_194 = arith.mulf %get3A_183, %mul3A_193 : vector<16xf32>
      %convert_element_type3A_195 = arith.fptosi %mul3A_194 : vector<16xf32> to vector<16xi32>
      %mul3A_196 = arith.constant 2.400000e+01 : f32
      %mul3A_197 = vector.broadcast %mul3A_196 : f32 to vector<16xf32>
      %mul3A_198 = arith.mulf %get3A_191, %mul3A_197 : vector<16xf32>
      %convert_element_type3A_199 = arith.fptosi %mul3A_198 : vector<16xf32> to vector<16xi32>
      %mul3A_200 = arith.constant 24 : i32
      %mul3A_201 = vector.broadcast %mul3A_200 : i32 to vector<16xi32>
      %mul3A_202 = arith.muli %convert_element_type3A_195, %mul3A_201 : vector<16xi32>
      %add3A_203 = arith.addi %mul3A_202, %convert_element_type3A_199 : vector<16xi32>
      %add3A_204 = arith.constant 1 : i32
      %add3A_205 = vector.broadcast %add3A_204 : i32 to vector<16xi32>
      %add3A_206 = arith.addi %add3A_203, %add3A_205 : vector<16xi32>
      %add3A_207 = vector.broadcast %mul3A_13 : i32 to vector<16xi32>
      %add3A_208 = arith.addi %add3A_206, %add3A_207 : vector<16xi32>
      %mul3A_209 = arith.constant 16 : i32
      %mul3A_210 = arith.muli %scan3A_175, %mul3A_209 : i32
      %swap3A_211 = arith.index_cast %mul3A_210 : i32 to index
      %swap3A_212 = tpu.vector_load %arg8[%swap3A_211] {strides = array<i32>} : memref<32xi32, #tpu.memory_space<vmem>>, vector<16xi32>,
      %swap3A_213 = vector.shape_cast %swap3A_212 : vector<16xi32> to vector<16xi32>
      %swap3A_214 = vector.shape_cast %add3A_208 : vector<16xi32> to vector<16xi32>
      tpu.vector_store %arg8[%swap3A_211], %swap3A_214 {strides = array<i32>} : memref<32xi32, #tpu.memory_space<vmem>>, vector<16xi32>,
      %scan3A_215 = arith.constant 1 : i32
      %mul3A_216 = arith.constant 32 : i32
      %mul3A_217 = arith.muli %add3A_168, %mul3A_216 : i32
      %mul3A_218 = arith.constant 16 : i32
      %mul3A_219 = arith.muli %scan3A_215, %mul3A_218 : i32
      %add3A_220 = arith.addi %mul3A_217, %mul3A_219 : i32
      %get3A_221 = arith.index_cast %add3A_220 : i32 to index
      %get3A_222 = tpu.vector_load %arg5[%get3A_221] {strides = array<i32>} : memref<4096xf32, #tpu.memory_space<vmem>>, vector<16xf32>,
      %get3A_223 = vector.shape_cast %get3A_222 : vector<16xf32> to vector<16xf32>
      %mul3A_224 = arith.constant 32 : i32
      %mul3A_225 = arith.muli %add3A_168, %mul3A_224 : i32
      %mul3A_226 = arith.constant 16 : i32
      %mul3A_227 = arith.muli %scan3A_215, %mul3A_226 : i32
      %add3A_228 = arith.addi %mul3A_225, %mul3A_227 : i32
      %get3A_229 = arith.index_cast %add3A_228 : i32 to index
      %get3A_230 = tpu.vector_load %arg6[%get3A_229] {strides = array<i32>} : memref<4096xf32, #tpu.memory_space<vmem>>, vector<16xf32>,
      %get3A_231 = vector.shape_cast %get3A_230 : vector<16xf32> to vector<16xf32>
      %mul3A_232 = arith.constant 2.400000e+01 : f32
      %mul3A_233 = vector.broadcast %mul3A_232 : f32 to vector<16xf32>
      %mul3A_234 = arith.mulf %get3A_223, %mul3A_233 : vector<16xf32>
      %convert_element_type3A_235 = arith.fptosi %mul3A_234 : vector<16xf32> to vector<16xi32>
      %mul3A_236 = arith.constant 2.400000e+01 : f32
      %mul3A_237 = vector.broadcast %mul3A_236 : f32 to vector<16xf32>
      %mul3A_238 = arith.mulf %get3A_231, %mul3A_237 : vector<16xf32>
      %convert_element_type3A_239 = arith.fptosi %mul3A_238 : vector<16xf32> to vector<16xi32>
      %mul3A_240 = arith.constant 24 : i32
      %mul3A_241 = vector.broadcast %mul3A_240 : i32 to vector<16xi32>
      %mul3A_242 = arith.muli %convert_element_type3A_235, %mul3A_241 : vector<16xi32>
      %add3A_243 = arith.addi %mul3A_242, %convert_element_type3A_239 : vector<16xi32>
      %add3A_244 = arith.constant 1 : i32
      %add3A_245 = vector.broadcast %add3A_244 : i32 to vector<16xi32>
      %add3A_246 = arith.addi %add3A_243, %add3A_245 : vector<16xi32>
      %add3A_247 = vector.broadcast %mul3A_13 : i32 to vector<16xi32>
      %add3A_248 = arith.addi %add3A_246, %add3A_247 : vector<16xi32>
      %mul3A_249 = arith.constant 16 : i32
      %mul3A_250 = arith.muli %scan3A_215, %mul3A_249 : i32
      %swap3A_251 = arith.index_cast %mul3A_250 : i32 to index
      %swap3A_252 = tpu.vector_load %arg8[%swap3A_251] {strides = array<i32>} : memref<32xi32, #tpu.memory_space<vmem>>, vector<16xi32>,
      %swap3A_253 = vector.shape_cast %swap3A_252 : vector<16xi32> to vector<16xi32>
      %swap3A_254 = vector.shape_cast %add3A_248 : vector<16xi32> to vector<16xi32>
      tpu.vector_store %arg8[%swap3A_251], %swap3A_254 {strides = array<i32>} : memref<32xi32, #tpu.memory_space<vmem>>, vector<16xi32>,
      %scan3A_255 = arith.constant 2 : i32
      %dma_start3A_256 = arith.constant 0 : i32
      %dma_start3A_257 = arith.constant 0 : i32
      %dma_start3A_258 = tpu.memref_slice %arg3[%dma_start3A_256, %dma_start3A_257] : memref<2308x768xf32, #tpu.memory_space<hbm>> -> memref<2308x768xf32, #tpu.memory_space<hbm>>
      tpu.enqueue_indirect_dma source(%dma_start3A_258 : memref<2308x768xf32, #tpu.memory_space<hbm>>) target(%arg12 : memref<32x768xf32, #tpu.memory_space<vmem>>) offsets(%arg8 : memref<32xi32, #tpu.memory_space<vmem>>) semaphore(%arg16 : memref<!tpu.dma_semaphore, #tpu.memory_space<semaphore_mem>>)
      %sub3A_259 = arith.constant 3 : i32
      %sub3A_260 = arith.subi %add3A_168, %sub3A_259 : i32
      %gt3A_261 = arith.constant 0 : i32
      %gt3A_262 = arith.cmpi sgt, %scan3A_69, %gt3A_261 : i32
      %convert_element_type3A_263 = arith.extui %gt3A_262 : i1 to i32
      %cond3A_264 = arith.constant 0 : i32
      %cond3A_265 = arith.cmpi ne, %convert_element_type3A_263, %cond3A_264 : i32
      scf.if %cond3A_265 {
        %dma_wait3A_473 = arith.constant 0 : i32
        %dma_wait3A_474 = arith.constant 0 : i32
        %dma_wait3A_475 = tpu.memref_slice %arg3[%dma_wait3A_473, %dma_wait3A_474] : memref<2308x768xf32, #tpu.memory_space<hbm>> -> memref<2308x768xf32, #tpu.memory_space<hbm>>
        tpu.wait_indirect_dma semaphore(%arg17 : memref<!tpu.dma_semaphore, #tpu.memory_space<semaphore_mem>>) src(%dma_wait3A_475 : memref<2308x768xf32, #tpu.memory_space<hbm>>) dst(%arg13 : memref<32x768xf32, #tpu.memory_space<vmem>>)
        %mul3A_476 = arith.constant 32 : i32
        %mul3A_477 = arith.muli %sub3A_260, %mul3A_476 : i32
        %add3A_478 = arith.addi %mul3A_2, %mul3A_477 : i32
        %dma_start3A_479 = arith.constant 0 : i32
        %dma_start3A_480 = tpu.memref_slice %arg4[%add3A_478, %dma_start3A_479] : memref<131072x768xf32, #tpu.memory_space<hbm>> -> memref<32x768xf32, #tpu.memory_space<hbm>>
        %dma_start3A_481 = arith.constant 0 : i32
        %dma_start3A_482 = tpu.memref_slice %arg4[%add3A_478, %dma_start3A_481] : memref<131072x768xf32, #tpu.memory_space<hbm>> -> memref<32x768xf32, #tpu.memory_space<hbm>>
        tpu.enqueue_dma source(%arg13 : memref<32x768xf32, #tpu.memory_space<vmem>>) target(%dma_start3A_482 : memref<32x768xf32, #tpu.memory_space<hbm>>) target_semaphore(%arg21 : memref<!tpu.dma_semaphore, #tpu.memory_space<semaphore_mem>>)
      } else {
      }
      %mul3A_266 = arith.constant 4 : i32
      %mul3A_267 = arith.muli %mul3A_266, %scan3A_69 : i32
      %add3A_268 = arith.constant 2 : i32
      %add3A_269 = arith.addi %mul3A_267, %add3A_268 : i32
      %gt3A_270 = arith.constant 0 : i32
      %gt3A_271 = arith.cmpi sgt, %scan3A_69, %gt3A_270 : i32
      %convert_element_type3A_272 = arith.extui %gt3A_271 : i1 to i32
      %cond3A_273 = arith.constant 0 : i32
      %cond3A_274 = arith.cmpi ne, %convert_element_type3A_272, %cond3A_273 : i32
      scf.if %cond3A_274 {
        %sub3A_473 = arith.constant 4 : i32
        %sub3A_474 = arith.subi %add3A_269, %sub3A_473 : i32
        %mul3A_475 = arith.constant 32 : i32
        %mul3A_476 = arith.muli %sub3A_474, %mul3A_475 : i32
        %add3A_477 = arith.addi %mul3A_2, %mul3A_476 : i32
        %dma_wait3A_478 = arith.constant 0 : i32
        %dma_wait3A_479 = tpu.memref_slice %arg4[%add3A_477, %dma_wait3A_478] : memref<131072x768xf32, #tpu.memory_space<hbm>> -> memref<32x768xf32, #tpu.memory_space<hbm>>
        %dma_wait3A_480 = arith.constant 0 : i32
        %dma_wait3A_481 = tpu.memref_slice %arg4[%add3A_477, %dma_wait3A_480] : memref<131072x768xf32, #tpu.memory_space<hbm>> -> memref<32x768xf32, #tpu.memory_space<hbm>>
        tpu.wait_dma2 semaphore(%arg21 : memref<!tpu.dma_semaphore, #tpu.memory_space<semaphore_mem>>) src(%arg13 : memref<32x768xf32, #tpu.memory_space<vmem>>) dst(%dma_wait3A_481 : memref<32x768xf32, #tpu.memory_space<hbm>>)
      } else {
      }
      %scan3A_275 = arith.constant 0 : i32
      %scan3A_276 = arith.constant 0 : i32
      %mul3A_277 = arith.constant 32 : i32
      %mul3A_278 = arith.muli %add3A_269, %mul3A_277 : i32
      %mul3A_279 = arith.constant 16 : i32
      %mul3A_280 = arith.muli %scan3A_276, %mul3A_279 : i32
      %add3A_281 = arith.addi %mul3A_278, %mul3A_280 : i32
      %get3A_282 = arith.index_cast %add3A_281 : i32 to index
      %get3A_283 = tpu.vector_load %arg5[%get3A_282] {strides = array<i32>} : memref<4096xf32, #tpu.memory_space<vmem>>, vector<16xf32>,
      %get3A_284 = vector.shape_cast %get3A_283 : vector<16xf32> to vector<16xf32>
      %mul3A_285 = arith.constant 32 : i32
      %mul3A_286 = arith.muli %add3A_269, %mul3A_285 : i32
      %mul3A_287 = arith.constant 16 : i32
      %mul3A_288 = arith.muli %scan3A_276, %mul3A_287 : i32
      %add3A_289 = arith.addi %mul3A_286, %mul3A_288 : i32
      %get3A_290 = arith.index_cast %add3A_289 : i32 to index
      %get3A_291 = tpu.vector_load %arg6[%get3A_290] {strides = array<i32>} : memref<4096xf32, #tpu.memory_space<vmem>>, vector<16xf32>,
      %get3A_292 = vector.shape_cast %get3A_291 : vector<16xf32> to vector<16xf32>
      %mul3A_293 = arith.constant 2.400000e+01 : f32
      %mul3A_294 = vector.broadcast %mul3A_293 : f32 to vector<16xf32>
      %mul3A_295 = arith.mulf %get3A_284, %mul3A_294 : vector<16xf32>
      %convert_element_type3A_296 = arith.fptosi %mul3A_295 : vector<16xf32> to vector<16xi32>
      %mul3A_297 = arith.constant 2.400000e+01 : f32
      %mul3A_298 = vector.broadcast %mul3A_297 : f32 to vector<16xf32>
      %mul3A_299 = arith.mulf %get3A_292, %mul3A_298 : vector<16xf32>
      %convert_element_type3A_300 = arith.fptosi %mul3A_299 : vector<16xf32> to vector<16xi32>
      %mul3A_301 = arith.constant 24 : i32
      %mul3A_302 = vector.broadcast %mul3A_301 : i32 to vector<16xi32>
      %mul3A_303 = arith.muli %convert_element_type3A_296, %mul3A_302 : vector<16xi32>
      %add3A_304 = arith.addi %mul3A_303, %convert_element_type3A_300 : vector<16xi32>
      %add3A_305 = arith.constant 1 : i32
      %add3A_306 = vector.broadcast %add3A_305 : i32 to vector<16xi32>
      %add3A_307 = arith.addi %add3A_304, %add3A_306 : vector<16xi32>
      %add3A_308 = vector.broadcast %mul3A_13 : i32 to vector<16xi32>
      %add3A_309 = arith.addi %add3A_307, %add3A_308 : vector<16xi32>
      %mul3A_310 = arith.constant 16 : i32
      %mul3A_311 = arith.muli %scan3A_276, %mul3A_310 : i32
      %swap3A_312 = arith.index_cast %mul3A_311 : i32 to index
      %swap3A_313 = tpu.vector_load %arg9[%swap3A_312] {strides = array<i32>} : memref<32xi32, #tpu.memory_space<vmem>>, vector<16xi32>,
      %swap3A_314 = vector.shape_cast %swap3A_313 : vector<16xi32> to vector<16xi32>
      %swap3A_315 = vector.shape_cast %add3A_309 : vector<16xi32> to vector<16xi32>
      tpu.vector_store %arg9[%swap3A_312], %swap3A_315 {strides = array<i32>} : memref<32xi32, #tpu.memory_space<vmem>>, vector<16xi32>,
      %scan3A_316 = arith.constant 1 : i32
      %mul3A_317 = arith.constant 32 : i32
      %mul3A_318 = arith.muli %add3A_269, %mul3A_317 : i32
      %mul3A_319 = arith.constant 16 : i32
      %mul3A_320 = arith.muli %scan3A_316, %mul3A_319 : i32
      %add3A_321 = arith.addi %mul3A_318, %mul3A_320 : i32
      %get3A_322 = arith.index_cast %add3A_321 : i32 to index
      %get3A_323 = tpu.vector_load %arg5[%get3A_322] {strides = array<i32>} : memref<4096xf32, #tpu.memory_space<vmem>>, vector<16xf32>,
      %get3A_324 = vector.shape_cast %get3A_323 : vector<16xf32> to vector<16xf32>
      %mul3A_325 = arith.constant 32 : i32
      %mul3A_326 = arith.muli %add3A_269, %mul3A_325 : i32
      %mul3A_327 = arith.constant 16 : i32
      %mul3A_328 = arith.muli %scan3A_316, %mul3A_327 : i32
      %add3A_329 = arith.addi %mul3A_326, %mul3A_328 : i32
      %get3A_330 = arith.index_cast %add3A_329 : i32 to index
      %get3A_331 = tpu.vector_load %arg6[%get3A_330] {strides = array<i32>} : memref<4096xf32, #tpu.memory_space<vmem>>, vector<16xf32>,
      %get3A_332 = vector.shape_cast %get3A_331 : vector<16xf32> to vector<16xf32>
      %mul3A_333 = arith.constant 2.400000e+01 : f32
      %mul3A_334 = vector.broadcast %mul3A_333 : f32 to vector<16xf32>
      %mul3A_335 = arith.mulf %get3A_324, %mul3A_334 : vector<16xf32>
      %convert_element_type3A_336 = arith.fptosi %mul3A_335 : vector<16xf32> to vector<16xi32>
      %mul3A_337 = arith.constant 2.400000e+01 : f32
      %mul3A_338 = vector.broadcast %mul3A_337 : f32 to vector<16xf32>
      %mul3A_339 = arith.mulf %get3A_332, %mul3A_338 : vector<16xf32>
      %convert_element_type3A_340 = arith.fptosi %mul3A_339 : vector<16xf32> to vector<16xi32>
      %mul3A_341 = arith.constant 24 : i32
      %mul3A_342 = vector.broadcast %mul3A_341 : i32 to vector<16xi32>
      %mul3A_343 = arith.muli %convert_element_type3A_336, %mul3A_342 : vector<16xi32>
      %add3A_344 = arith.addi %mul3A_343, %convert_element_type3A_340 : vector<16xi32>
      %add3A_345 = arith.constant 1 : i32
      %add3A_346 = vector.broadcast %add3A_345 : i32 to vector<16xi32>
      %add3A_347 = arith.addi %add3A_344, %add3A_346 : vector<16xi32>
      %add3A_348 = vector.broadcast %mul3A_13 : i32 to vector<16xi32>
      %add3A_349 = arith.addi %add3A_347, %add3A_348 : vector<16xi32>
      %mul3A_350 = arith.constant 16 : i32
      %mul3A_351 = arith.muli %scan3A_316, %mul3A_350 : i32
      %swap3A_352 = arith.index_cast %mul3A_351 : i32 to index
      %swap3A_353 = tpu.vector_load %arg9[%swap3A_352] {strides = array<i32>} : memref<32xi32, #tpu.memory_space<vmem>>, vector<16xi32>,
      %swap3A_354 = vector.shape_cast %swap3A_353 : vector<16xi32> to vector<16xi32>
      %swap3A_355 = vector.shape_cast %add3A_349 : vector<16xi32> to vector<16xi32>
      tpu.vector_store %arg9[%swap3A_352], %swap3A_355 {strides = array<i32>} : memref<32xi32, #tpu.memory_space<vmem>>, vector<16xi32>,
      %scan3A_356 = arith.constant 2 : i32
      %dma_start3A_357 = arith.constant 0 : i32
      %dma_start3A_358 = arith.constant 0 : i32
      %dma_start3A_359 = tpu.memref_slice %arg3[%dma_start3A_357, %dma_start3A_358] : memref<2308x768xf32, #tpu.memory_space<hbm>> -> memref<2308x768xf32, #tpu.memory_space<hbm>>
      tpu.enqueue_indirect_dma source(%dma_start3A_359 : memref<2308x768xf32, #tpu.memory_space<hbm>>) target(%arg13 : memref<32x768xf32, #tpu.memory_space<vmem>>) offsets(%arg9 : memref<32xi32, #tpu.memory_space<vmem>>) semaphore(%arg17 : memref<!tpu.dma_semaphore, #tpu.memory_space<semaphore_mem>>)
      %sub3A_360 = arith.constant 3 : i32
      %sub3A_361 = arith.subi %add3A_269, %sub3A_360 : i32
      %gt3A_362 = arith.constant 0 : i32
      %gt3A_363 = arith.cmpi sgt, %scan3A_69, %gt3A_362 : i32
      %convert_element_type3A_364 = arith.extui %gt3A_363 : i1 to i32
      %cond3A_365 = arith.constant 0 : i32
      %cond3A_366 = arith.cmpi ne, %convert_element_type3A_364, %cond3A_365 : i32
      scf.if %cond3A_366 {
        %dma_wait3A_473 = arith.constant 0 : i32
        %dma_wait3A_474 = arith.constant 0 : i32
        %dma_wait3A_475 = tpu.memref_slice %arg3[%dma_wait3A_473, %dma_wait3A_474] : memref<2308x768xf32, #tpu.memory_space<hbm>> -> memref<2308x768xf32, #tpu.memory_space<hbm>>
        tpu.wait_indirect_dma semaphore(%arg18 : memref<!tpu.dma_semaphore, #tpu.memory_space<semaphore_mem>>) src(%dma_wait3A_475 : memref<2308x768xf32, #tpu.memory_space<hbm>>) dst(%arg14 : memref<32x768xf32, #tpu.memory_space<vmem>>)
        %mul3A_476 = arith.constant 32 : i32
        %mul3A_477 = arith.muli %sub3A_361, %mul3A_476 : i32
        %add3A_478 = arith.addi %mul3A_2, %mul3A_477 : i32
        %dma_start3A_479 = arith.constant 0 : i32
        %dma_start3A_480 = tpu.memref_slice %arg4[%add3A_478, %dma_start3A_479] : memref<131072x768xf32, #tpu.memory_space<hbm>> -> memref<32x768xf32, #tpu.memory_space<hbm>>
        %dma_start3A_481 = arith.constant 0 : i32
        %dma_start3A_482 = tpu.memref_slice %arg4[%add3A_478, %dma_start3A_481] : memref<131072x768xf32, #tpu.memory_space<hbm>> -> memref<32x768xf32, #tpu.memory_space<hbm>>
        tpu.enqueue_dma source(%arg14 : memref<32x768xf32, #tpu.memory_space<vmem>>) target(%dma_start3A_482 : memref<32x768xf32, #tpu.memory_space<hbm>>) target_semaphore(%arg22 : memref<!tpu.dma_semaphore, #tpu.memory_space<semaphore_mem>>)
      } else {
      }
      %mul3A_367 = arith.constant 4 : i32
      %mul3A_368 = arith.muli %mul3A_367, %scan3A_69 : i32
      %add3A_369 = arith.constant 3 : i32
      %add3A_370 = arith.addi %mul3A_368, %add3A_369 : i32
      %gt3A_371 = arith.constant 0 : i32
      %gt3A_372 = arith.cmpi sgt, %scan3A_69, %gt3A_371 : i32
      %convert_element_type3A_373 = arith.extui %gt3A_372 : i1 to i32
      %cond3A_374 = arith.constant 0 : i32
      %cond3A_375 = arith.cmpi ne, %convert_element_type3A_373, %cond3A_374 : i32
      scf.if %cond3A_375 {
        %sub3A_473 = arith.constant 4 : i32
        %sub3A_474 = arith.subi %add3A_370, %sub3A_473 : i32
        %mul3A_475 = arith.constant 32 : i32
        %mul3A_476 = arith.muli %sub3A_474, %mul3A_475 : i32
        %add3A_477 = arith.addi %mul3A_2, %mul3A_476 : i32
        %dma_wait3A_478 = arith.constant 0 : i32
        %dma_wait3A_479 = tpu.memref_slice %arg4[%add3A_477, %dma_wait3A_478] : memref<131072x768xf32, #tpu.memory_space<hbm>> -> memref<32x768xf32, #tpu.memory_space<hbm>>
        %dma_wait3A_480 = arith.constant 0 : i32
        %dma_wait3A_481 = tpu.memref_slice %arg4[%add3A_477, %dma_wait3A_480] : memref<131072x768xf32, #tpu.memory_space<hbm>> -> memref<32x768xf32, #tpu.memory_space<hbm>>
        tpu.wait_dma2 semaphore(%arg22 : memref<!tpu.dma_semaphore, #tpu.memory_space<semaphore_mem>>) src(%arg14 : memref<32x768xf32, #tpu.memory_space<vmem>>) dst(%dma_wait3A_481 : memref<32x768xf32, #tpu.memory_space<hbm>>)
      } else {
      }
      %scan3A_376 = arith.constant 0 : i32
      %scan3A_377 = arith.constant 0 : i32
      %mul3A_378 = arith.constant 32 : i32
      %mul3A_379 = arith.muli %add3A_370, %mul3A_378 : i32
      %mul3A_380 = arith.constant 16 : i32
      %mul3A_381 = arith.muli %scan3A_377, %mul3A_380 : i32
      %add3A_382 = arith.addi %mul3A_379, %mul3A_381 : i32
      %get3A_383 = arith.index_cast %add3A_382 : i32 to index
      %get3A_384 = tpu.vector_load %arg5[%get3A_383] {strides = array<i32>} : memref<4096xf32, #tpu.memory_space<vmem>>, vector<16xf32>,
      %get3A_385 = vector.shape_cast %get3A_384 : vector<16xf32> to vector<16xf32>
      %mul3A_386 = arith.constant 32 : i32
      %mul3A_387 = arith.muli %add3A_370, %mul3A_386 : i32
      %mul3A_388 = arith.constant 16 : i32
      %mul3A_389 = arith.muli %scan3A_377, %mul3A_388 : i32
      %add3A_390 = arith.addi %mul3A_387, %mul3A_389 : i32
      %get3A_391 = arith.index_cast %add3A_390 : i32 to index
      %get3A_392 = tpu.vector_load %arg6[%get3A_391] {strides = array<i32>} : memref<4096xf32, #tpu.memory_space<vmem>>, vector<16xf32>,
      %get3A_393 = vector.shape_cast %get3A_392 : vector<16xf32> to vector<16xf32>
      %mul3A_394 = arith.constant 2.400000e+01 : f32
      %mul3A_395 = vector.broadcast %mul3A_394 : f32 to vector<16xf32>
      %mul3A_396 = arith.mulf %get3A_385, %mul3A_395 : vector<16xf32>
      %convert_element_type3A_397 = arith.fptosi %mul3A_396 : vector<16xf32> to vector<16xi32>
      %mul3A_398 = arith.constant 2.400000e+01 : f32
      %mul3A_399 = vector.broadcast %mul3A_398 : f32 to vector<16xf32>
      %mul3A_400 = arith.mulf %get3A_393, %mul3A_399 : vector<16xf32>
      %convert_element_type3A_401 = arith.fptosi %mul3A_400 : vector<16xf32> to vector<16xi32>
      %mul3A_402 = arith.constant 24 : i32
      %mul3A_403 = vector.broadcast %mul3A_402 : i32 to vector<16xi32>
      %mul3A_404 = arith.muli %convert_element_type3A_397, %mul3A_403 : vector<16xi32>
      %add3A_405 = arith.addi %mul3A_404, %convert_element_type3A_401 : vector<16xi32>
      %add3A_406 = arith.constant 1 : i32
      %add3A_407 = vector.broadcast %add3A_406 : i32 to vector<16xi32>
      %add3A_408 = arith.addi %add3A_405, %add3A_407 : vector<16xi32>
      %add3A_409 = vector.broadcast %mul3A_13 : i32 to vector<16xi32>
      %add3A_410 = arith.addi %add3A_408, %add3A_409 : vector<16xi32>
      %mul3A_411 = arith.constant 16 : i32
      %mul3A_412 = arith.muli %scan3A_377, %mul3A_411 : i32
      %swap3A_413 = arith.index_cast %mul3A_412 : i32 to index
      %swap3A_414 = tpu.vector_load %arg10[%swap3A_413] {strides = array<i32>} : memref<32xi32, #tpu.memory_space<vmem>>, vector<16xi32>,
      %swap3A_415 = vector.shape_cast %swap3A_414 : vector<16xi32> to vector<16xi32>
      %swap3A_416 = vector.shape_cast %add3A_410 : vector<16xi32> to vector<16xi32>
      tpu.vector_store %arg10[%swap3A_413], %swap3A_416 {strides = array<i32>} : memref<32xi32, #tpu.memory_space<vmem>>, vector<16xi32>,
      %scan3A_417 = arith.constant 1 : i32
      %mul3A_418 = arith.constant 32 : i32
      %mul3A_419 = arith.muli %add3A_370, %mul3A_418 : i32
      %mul3A_420 = arith.constant 16 : i32
      %mul3A_421 = arith.muli %scan3A_417, %mul3A_420 : i32
      %add3A_422 = arith.addi %mul3A_419, %mul3A_421 : i32
      %get3A_423 = arith.index_cast %add3A_422 : i32 to index
      %get3A_424 = tpu.vector_load %arg5[%get3A_423] {strides = array<i32>} : memref<4096xf32, #tpu.memory_space<vmem>>, vector<16xf32>,
      %get3A_425 = vector.shape_cast %get3A_424 : vector<16xf32> to vector<16xf32>
      %mul3A_426 = arith.constant 32 : i32
      %mul3A_427 = arith.muli %add3A_370, %mul3A_426 : i32
      %mul3A_428 = arith.constant 16 : i32
      %mul3A_429 = arith.muli %scan3A_417, %mul3A_428 : i32
      %add3A_430 = arith.addi %mul3A_427, %mul3A_429 : i32
      %get3A_431 = arith.index_cast %add3A_430 : i32 to index
      %get3A_432 = tpu.vector_load %arg6[%get3A_431] {strides = array<i32>} : memref<4096xf32, #tpu.memory_space<vmem>>, vector<16xf32>,
      %get3A_433 = vector.shape_cast %get3A_432 : vector<16xf32> to vector<16xf32>
      %mul3A_434 = arith.constant 2.400000e+01 : f32
      %mul3A_435 = vector.broadcast %mul3A_434 : f32 to vector<16xf32>
      %mul3A_436 = arith.mulf %get3A_425, %mul3A_435 : vector<16xf32>
      %convert_element_type3A_437 = arith.fptosi %mul3A_436 : vector<16xf32> to vector<16xi32>
      %mul3A_438 = arith.constant 2.400000e+01 : f32
      %mul3A_439 = vector.broadcast %mul3A_438 : f32 to vector<16xf32>
      %mul3A_440 = arith.mulf %get3A_433, %mul3A_439 : vector<16xf32>
      %convert_element_type3A_441 = arith.fptosi %mul3A_440 : vector<16xf32> to vector<16xi32>
      %mul3A_442 = arith.constant 24 : i32
      %mul3A_443 = vector.broadcast %mul3A_442 : i32 to vector<16xi32>
      %mul3A_444 = arith.muli %convert_element_type3A_437, %mul3A_443 : vector<16xi32>
      %add3A_445 = arith.addi %mul3A_444, %convert_element_type3A_441 : vector<16xi32>
      %add3A_446 = arith.constant 1 : i32
      %add3A_447 = vector.broadcast %add3A_446 : i32 to vector<16xi32>
      %add3A_448 = arith.addi %add3A_445, %add3A_447 : vector<16xi32>
      %add3A_449 = vector.broadcast %mul3A_13 : i32 to vector<16xi32>
      %add3A_450 = arith.addi %add3A_448, %add3A_449 : vector<16xi32>
      %mul3A_451 = arith.constant 16 : i32
      %mul3A_452 = arith.muli %scan3A_417, %mul3A_451 : i32
      %swap3A_453 = arith.index_cast %mul3A_452 : i32 to index
      %swap3A_454 = tpu.vector_load %arg10[%swap3A_453] {strides = array<i32>} : memref<32xi32, #tpu.memory_space<vmem>>, vector<16xi32>,
      %swap3A_455 = vector.shape_cast %swap3A_454 : vector<16xi32> to vector<16xi32>
      %swap3A_456 = vector.shape_cast %add3A_450 : vector<16xi32> to vector<16xi32>
      tpu.vector_store %arg10[%swap3A_453], %swap3A_456 {strides = array<i32>} : memref<32xi32, #tpu.memory_space<vmem>>, vector<16xi32>,
      %scan3A_457 = arith.constant 2 : i32
      %dma_start3A_458 = arith.constant 0 : i32
      %dma_start3A_459 = arith.constant 0 : i32
      %dma_start3A_460 = tpu.memref_slice %arg3[%dma_start3A_458, %dma_start3A_459] : memref<2308x768xf32, #tpu.memory_space<hbm>> -> memref<2308x768xf32, #tpu.memory_space<hbm>>
      tpu.enqueue_indirect_dma source(%dma_start3A_460 : memref<2308x768xf32, #tpu.memory_space<hbm>>) target(%arg14 : memref<32x768xf32, #tpu.memory_space<vmem>>) offsets(%arg10 : memref<32xi32, #tpu.memory_space<vmem>>) semaphore(%arg18 : memref<!tpu.dma_semaphore, #tpu.memory_space<semaphore_mem>>)
      %sub3A_461 = arith.constant 3 : i32
      %sub3A_462 = arith.subi %add3A_370, %sub3A_461 : i32
      %dma_wait3A_463 = arith.constant 0 : i32
      %dma_wait3A_464 = arith.constant 0 : i32
      %dma_wait3A_465 = tpu.memref_slice %arg3[%dma_wait3A_463, %dma_wait3A_464] : memref<2308x768xf32, #tpu.memory_space<hbm>> -> memref<2308x768xf32, #tpu.memory_space<hbm>>
      tpu.wait_indirect_dma semaphore(%arg15 : memref<!tpu.dma_semaphore, #tpu.memory_space<semaphore_mem>>) src(%dma_wait3A_465 : memref<2308x768xf32, #tpu.memory_space<hbm>>) dst(%arg11 : memref<32x768xf32, #tpu.memory_space<vmem>>)
      %mul3A_466 = arith.constant 32 : i32
      %mul3A_467 = arith.muli %sub3A_462, %mul3A_466 : i32
      %add3A_468 = arith.addi %mul3A_2, %mul3A_467 : i32
      %dma_start3A_469 = arith.constant 0 : i32
      %dma_start3A_470 = tpu.memref_slice %arg4[%add3A_468, %dma_start3A_469] : memref<131072x768xf32, #tpu.memory_space<hbm>> -> memref<32x768xf32, #tpu.memory_space<hbm>>
      %dma_start3A_471 = arith.constant 0 : i32
      %dma_start3A_472 = tpu.memref_slice %arg4[%add3A_468, %dma_start3A_471] : memref<131072x768xf32, #tpu.memory_space<hbm>> -> memref<32x768xf32, #tpu.memory_space<hbm>>
      tpu.enqueue_dma source(%arg11 : memref<32x768xf32, #tpu.memory_space<vmem>>) target(%dma_start3A_472 : memref<32x768xf32, #tpu.memory_space<hbm>>) target_semaphore(%arg19 : memref<!tpu.dma_semaphore, #tpu.memory_space<semaphore_mem>>)
    }
    %scan3A_19 = arith.constant 32 : i32
    %dma_wait3A = arith.constant 0 : i32
    %dma_wait3A_20 = arith.constant 0 : i32
    %dma_wait3A_21 = tpu.memref_slice %arg3[%dma_wait3A, %dma_wait3A_20] : memref<2308x768xf32, #tpu.memory_space<hbm>> -> memref<2308x768xf32, #tpu.memory_space<hbm>>
    tpu.wait_indirect_dma semaphore(%arg16 : memref<!tpu.dma_semaphore, #tpu.memory_space<semaphore_mem>>) src(%dma_wait3A_21 : memref<2308x768xf32, #tpu.memory_space<hbm>>) dst(%arg12 : memref<32x768xf32, #tpu.memory_space<vmem>>)
    %add3A_22 = arith.constant 4000 : i32
    %add3A_23 = arith.addi %mul3A_2, %add3A_22 : i32
    %dma_start3A = arith.constant 0 : i32
    %dma_start3A_24 = tpu.memref_slice %arg4[%add3A_23, %dma_start3A] : memref<131072x768xf32, #tpu.memory_space<hbm>> -> memref<32x768xf32, #tpu.memory_space<hbm>>
    %dma_start3A_25 = arith.constant 0 : i32
    %dma_start3A_26 = tpu.memref_slice %arg4[%add3A_23, %dma_start3A_25] : memref<131072x768xf32, #tpu.memory_space<hbm>> -> memref<32x768xf32, #tpu.memory_space<hbm>>
    tpu.enqueue_dma source(%arg12 : memref<32x768xf32, #tpu.memory_space<vmem>>) target(%dma_start3A_26 : memref<32x768xf32, #tpu.memory_space<hbm>>) target_semaphore(%arg20 : memref<!tpu.dma_semaphore, #tpu.memory_space<semaphore_mem>>)
    %dma_wait3A_27 = arith.constant 0 : i32
    %dma_wait3A_28 = arith.constant 0 : i32
    %dma_wait3A_29 = tpu.memref_slice %arg3[%dma_wait3A_27, %dma_wait3A_28] : memref<2308x768xf32, #tpu.memory_space<hbm>> -> memref<2308x768xf32, #tpu.memory_space<hbm>>
    tpu.wait_indirect_dma semaphore(%arg17 : memref<!tpu.dma_semaphore, #tpu.memory_space<semaphore_mem>>) src(%dma_wait3A_29 : memref<2308x768xf32, #tpu.memory_space<hbm>>) dst(%arg13 : memref<32x768xf32, #tpu.memory_space<vmem>>)
    %add3A_30 = arith.constant 4032 : i32
    %add3A_31 = arith.addi %mul3A_2, %add3A_30 : i32
    %dma_start3A_32 = arith.constant 0 : i32
    %dma_start3A_33 = tpu.memref_slice %arg4[%add3A_31, %dma_start3A_32] : memref<131072x768xf32, #tpu.memory_space<hbm>> -> memref<32x768xf32, #tpu.memory_space<hbm>>
    %dma_start3A_34 = arith.constant 0 : i32
    %dma_start3A_35 = tpu.memref_slice %arg4[%add3A_31, %dma_start3A_34] : memref<131072x768xf32, #tpu.memory_space<hbm>> -> memref<32x768xf32, #tpu.memory_space<hbm>>
    tpu.enqueue_dma source(%arg13 : memref<32x768xf32, #tpu.memory_space<vmem>>) target(%dma_start3A_35 : memref<32x768xf32, #tpu.memory_space<hbm>>) target_semaphore(%arg21 : memref<!tpu.dma_semaphore, #tpu.memory_space<semaphore_mem>>)
    %dma_wait3A_36 = arith.constant 0 : i32
    %dma_wait3A_37 = arith.constant 0 : i32
    %dma_wait3A_38 = tpu.memref_slice %arg3[%dma_wait3A_36, %dma_wait3A_37] : memref<2308x768xf32, #tpu.memory_space<hbm>> -> memref<2308x768xf32, #tpu.memory_space<hbm>>
    tpu.wait_indirect_dma semaphore(%arg18 : memref<!tpu.dma_semaphore, #tpu.memory_space<semaphore_mem>>) src(%dma_wait3A_38 : memref<2308x768xf32, #tpu.memory_space<hbm>>) dst(%arg14 : memref<32x768xf32, #tpu.memory_space<vmem>>)
    %add3A_39 = arith.constant 4064 : i32
    %add3A_40 = arith.addi %mul3A_2, %add3A_39 : i32
    %dma_start3A_41 = arith.constant 0 : i32
    %dma_start3A_42 = tpu.memref_slice %arg4[%add3A_40, %dma_start3A_41] : memref<131072x768xf32, #tpu.memory_space<hbm>> -> memref<32x768xf32, #tpu.memory_space<hbm>>
    %dma_start3A_43 = arith.constant 0 : i32
    %dma_start3A_44 = tpu.memref_slice %arg4[%add3A_40, %dma_start3A_43] : memref<131072x768xf32, #tpu.memory_space<hbm>> -> memref<32x768xf32, #tpu.memory_space<hbm>>
    tpu.enqueue_dma source(%arg14 : memref<32x768xf32, #tpu.memory_space<vmem>>) target(%dma_start3A_44 : memref<32x768xf32, #tpu.memory_space<hbm>>) target_semaphore(%arg22 : memref<!tpu.dma_semaphore, #tpu.memory_space<semaphore_mem>>)
    %add3A_45 = arith.constant 3968 : i32
    %add3A_46 = arith.addi %mul3A_2, %add3A_45 : i32
    %dma_wait3A_47 = arith.constant 0 : i32
    %dma_wait3A_48 = tpu.memref_slice %arg4[%add3A_46, %dma_wait3A_47] : memref<131072x768xf32, #tpu.memory_space<hbm>> -> memref<32x768xf32, #tpu.memory_space<hbm>>
    %dma_wait3A_49 = arith.constant 0 : i32
    %dma_wait3A_50 = tpu.memref_slice %arg4[%add3A_46, %dma_wait3A_49] : memref<131072x768xf32, #tpu.memory_space<hbm>> -> memref<32x768xf32, #tpu.memory_space<hbm>>
    tpu.wait_dma2 semaphore(%arg19 : memref<!tpu.dma_semaphore, #tpu.memory_space<semaphore_mem>>) src(%arg11 : memref<32x768xf32, #tpu.memory_space<vmem>>) dst(%dma_wait3A_50 : memref<32x768xf32, #tpu.memory_space<hbm>>)
    %add3A_51 = arith.constant 4000 : i32
    %add3A_52 = arith.addi %mul3A_2, %add3A_51 : i32
    %dma_wait3A_53 = arith.constant 0 : i32
    %dma_wait3A_54 = tpu.memref_slice %arg4[%add3A_52, %dma_wait3A_53] : memref<131072x768xf32, #tpu.memory_space<hbm>> -> memref<32x768xf32, #tpu.memory_space<hbm>>
    %dma_wait3A_55 = arith.constant 0 : i32
    %dma_wait3A_56 = tpu.memref_slice %arg4[%add3A_52, %dma_wait3A_55] : memref<131072x768xf32, #tpu.memory_space<hbm>> -> memref<32x768xf32, #tpu.memory_space<hbm>>
    tpu.wait_dma2 semaphore(%arg20 : memref<!tpu.dma_semaphore, #tpu.memory_space<semaphore_mem>>) src(%arg12 : memref<32x768xf32, #tpu.memory_space<vmem>>) dst(%dma_wait3A_56 : memref<32x768xf32, #tpu.memory_space<hbm>>)
    %add3A_57 = arith.constant 4032 : i32
    %add3A_58 = arith.addi %mul3A_2, %add3A_57 : i32
    %dma_wait3A_59 = arith.constant 0 : i32
    %dma_wait3A_60 = tpu.memref_slice %arg4[%add3A_58, %dma_wait3A_59] : memref<131072x768xf32, #tpu.memory_space<hbm>> -> memref<32x768xf32, #tpu.memory_space<hbm>>
    %dma_wait3A_61 = arith.constant 0 : i32
    %dma_wait3A_62 = tpu.memref_slice %arg4[%add3A_58, %dma_wait3A_61] : memref<131072x768xf32, #tpu.memory_space<hbm>> -> memref<32x768xf32, #tpu.memory_space<hbm>>
    tpu.wait_dma2 semaphore(%arg21 : memref<!tpu.dma_semaphore, #tpu.memory_space<semaphore_mem>>) src(%arg13 : memref<32x768xf32, #tpu.memory_space<vmem>>) dst(%dma_wait3A_62 : memref<32x768xf32, #tpu.memory_space<hbm>>)
    %add3A_63 = arith.constant 4064 : i32
    %add3A_64 = arith.addi %mul3A_2, %add3A_63 : i32
    %dma_wait3A_65 = arith.constant 0 : i32
    %dma_wait3A_66 = tpu.memref_slice %arg4[%add3A_64, %dma_wait3A_65] : memref<131072x768xf32, #tpu.memory_space<hbm>> -> memref<32x768xf32, #tpu.memory_space<hbm>>
    %dma_wait3A_67 = arith.constant 0 : i32
    %dma_wait3A_68 = tpu.memref_slice %arg4[%add3A_64, %dma_wait3A_67] : memref<131072x768xf32, #tpu.memory_space<hbm>> -> memref<32x768xf32, #tpu.memory_space<hbm>>
    tpu.wait_dma2 semaphore(%arg22 : memref<!tpu.dma_semaphore, #tpu.memory_space<semaphore_mem>>) src(%arg14 : memref<32x768xf32, #tpu.memory_space<vmem>>) dst(%dma_wait3A_68 : memref<32x768xf32, #tpu.memory_space<hbm>>)
    return
  }
}

</mosaic_0001>

<sc_bundles>
// kernel: kernel.3.cloned.1.call-start
scs
__scs_entry_jumppad:
0x0: {  	(pc) =	sbr.rel $0x88, $3  }
0x1: {  	(tag) =	ssettag $0x0;
	lr =	simm.s32 $0x1  }
0x2: {  	[smem:$0x3F9F] =	sst lr;
	_ =	strace $0xD0000000  }
0x3: {  	_ = 	snop  }
0x4: {  	_ = 	snop  }
0x5: {  	_ = 	snop  }
0x6: {  	_ = 	snop  }
0x7: {  	_ = 	snop  }
__scs_overlays_trampoline_lowered:
0x8: {  	[smem:$0x3FAE] =	sst s0  }
0x9: {  	[smem:$0x3FAF] =	sst s1  }
0xa: {  	[smem:$0x3FB0] =	sst s2  }
0xb: {  	[smem:$0x3FB1] =	sst s3  }
0xc: {  	[smem:$0x3FB2] =	sst s4  }
0xd: {  	[smem:$0x3FB3] =	sst s5  }
0xe: {  	[smem:$0x3FB4] =	sst s6  }
0xf: {  	[smem:$0x3FB5] =	sst s7  }
0x10: {  	[smem:$0x3FB6] =	sst s8  }
0x11: {  	[smem:$0x3FB7] =	sst s9;
	s0 =	simm.s32 @!p0 $0x0  }
0x12: {  	s1 =	sld [smem:$0x3F9D];
	s0 =	simm.s32 @p0 $0x1  }
0x13: {  	[smem:$0x3FB8] =	sst s0;
	s0 =	simm.s32 @!p1 $0x0  }
0x14: {  	s2 =	sld [smem:$0x3F9C];
	s0 =	simm.s32 @p1 $0x1  }
0x15: {  	[smem:$0x3FB9] =	sst s0;
	s0 =	simm.s32 @!p2 $0x0  }
0x16: {  	s3 =	sld [smem:$0x3FDB];
	s0 =	simm.s32 @p2 $0x1  }
0x17: {  	s4 =	simm.s32 $0x1BF5;
	[smem:$0x3FBB] =	sst s0  }
0x18: {  	s0 =	sld [smem:$0x3F9E];
	_ =	swait.ge [sflag:s4], $0x0  }
0x19: {  	s7 =	sld [smem:$0x3F9F]  }
0x1a: {  	s8 =	sadd.s32 $0xFFFFE003, lr  }
0x1b: {  	s9 =	sadd.s32 $0xFFFFFEF7, lr;
	s5 =	simm.s32 $0xFFFFFFFF;
	p2 =	slt.u32 s8, $0xFFFFF086  }
0x1c: {  	p1 =	slt.u32 s9, $0xF7A;
	s5 =	simm.s32 @!p2 $0x0  }
0x1d: {  	s5 =	simm.s32 @p1 $0x1;
	p0 =	seq.s32 s7, s2  }
0x1e: {  	s7 =	smul.u32 @!p0 $0xF7A, s2;
	p2 =	seq.s32 @!p0 s5, $0x0  }
0x1f: {  	s9 =	smul.u32 $0xF7A, s1;
	s8 =	simm.s32 @!p0 $0x1BF5;
	p2 =	por !p2, p0  }
0x20: {  	[sflag:s8] =	ssyncset.s32 @!p0 $0xFFFFF086;
	s6 =	sadd.s32 @!p0 s3, s7;
	s7 =	simm.s32 @!p0 $0x108  }
0x21: {  	s3 =	sadd.s32 s3, s9;
	s6 =	sadd.s32 @!p0 $0x88, s6;
	s7 =	simm.s32 @p2 $0x1082  }
0x22: {  	[simem:s7], [sflag:s8] =	dma.local @!p0 [hbm:s6], $0xF7A  }
0x23: {  	s9 =	sor.u32 $0xD0000000, s2;
	s6 =	simm.s32 $0x108;
	_ =	swait.ge @!p0 [sflag:s8], $0x0  }
0x24: {  	s3 =	sadd.s32 $0x88, s3;
	s6 =	simm.s32 @!p1 $0x1082;
	[sflag:s4] =	ssyncset.s32 $0xFFFFF086  }
0x25: {  	[simem:s6], [sflag:s4] =	dma.local [hbm:s3], $0xF7A  }
0x26: {  	[smem:$0x3F9F] =	sst s1;
	(tag) =	ssettag s2;
	_ =	strace s9  }
0x27: {  	s1 =	sld [smem:$0x3FAF]  }
0x28: {  	s2 =	sld [smem:$0x3FB0]  }
0x29: {  	s4 =	sld [smem:$0x3FB2]  }
0x2a: {  	p0 =	seq.s32 s5, $0x0;
	s5 =	sld [smem:$0x3FB3]  }
0x2b: {  	s6 =	sld [smem:$0x3FB4]  }
0x2c: {  	s7 =	sld [smem:$0x3FB5]  }
0x2d: {  	s3 =	simm.s32 $0x108;
	s8 =	sld [smem:$0x3FB6]  }
0x2e: {  	s3 =	simm.s32 @!p0 $0x1082;
	s9 =	sld [smem:$0x3FB7]  }
0x2f: {  	lr =	sadd.s32 s0, s3;
	s0 =	sld [smem:$0x3FAE]  }
0x30: {  	s3 =	sld [smem:$0x3FB1]  }
0x31: {  	[smem:$0x3FBA] =	sst s10  }
0x32: {  	s10 =	sld [smem:$0x3FB8];
	_ =	sdelay $0x3  }
0x33: {  	p0 =	seq.s32 s10, $0x1;
	s10 =	sld [smem:$0x3FBA];
	_ =	sdelay $0x3  }
0x34: {  	[smem:$0x3FBA] =	sst s10  }
0x35: {  	s10 =	sld [smem:$0x3FB9];
	_ =	sdelay $0x3  }
0x36: {  	p1 =	seq.s32 s10, $0x1;
	s10 =	sld [smem:$0x3FBA];
	_ =	sdelay $0x3  }
0x37: {  	[smem:$0x3FBA] =	sst s10  }
0x38: {  	s10 =	sld [smem:$0x3FBB]  }
0x39: {  	_ = 	snop;
	(pc) =	sbr.ind lr, $3  }
0x3a: {  	_ = 	snop  }
0x3b: {  	_ = 	snop  }
0x3c: {  	p2 =	seq.s32 s10, $0x1;
	s10 =	sld [smem:$0x3FBA]  }
0x3d: {  	_ =	shalt  }
0x3e: {  	_ =	shalt  }
0x3f: {  	_ =	shalt  }
0x40: {  	_ =	shalt  }
0x41: {  	_ =	shalt  }
0x42: {  	_ =	shalt  }
0x43: {  	_ =	shalt  }
0x44: {  	_ =	shalt  }
0x45: {  	_ =	shalt  }
0x46: {  	_ =	shalt  }
0x47: {  	_ =	shalt  }
0x48: {  	_ =	shalt  }
0x49: {  	_ =	shalt  }
0x4a: {  	_ =	shalt  }
0x4b: {  	_ =	shalt  }
0x4c: {  	_ =	shalt  }
0x4d: {  	_ =	shalt  }
0x4e: {  	_ =	shalt  }
0x4f: {  	_ =	shalt  }
0x50: {  	_ =	shalt  }
0x51: {  	_ =	shalt  }
0x52: {  	_ =	shalt  }
0x53: {  	_ =	shalt  }
0x54: {  	_ =	shalt  }
0x55: {  	_ =	shalt  }
0x56: {  	_ =	shalt  }
0x57: {  	_ =	shalt  }
0x58: {  	_ =	shalt  }
0x59: {  	_ =	shalt  }
0x5a: {  	_ =	shalt  }
0x5b: {  	_ =	shalt  }
0x5c: {  	_ =	shalt  }
0x5d: {  	_ =	shalt  }
0x5e: {  	_ =	shalt  }
0x5f: {  	_ =	shalt  }
0x60: {  	_ =	shalt  }
0x61: {  	_ =	shalt  }
0x62: {  	_ =	shalt  }
0x63: {  	_ =	shalt  }
0x64: {  	_ =	shalt  }
0x65: {  	_ =	shalt  }
0x66: {  	_ =	shalt  }
0x67: {  	_ =	shalt  }
0x68: {  	_ =	shalt  }
0x69: {  	_ =	shalt  }
0x6a: {  	_ =	shalt  }
0x6b: {  	_ =	shalt  }
0x6c: {  	_ =	shalt  }
0x6d: {  	_ =	shalt  }
0x6e: {  	_ =	shalt  }
0x6f: {  	_ =	shalt  }
0x70: {  	_ =	shalt  }
0x71: {  	_ =	shalt  }
0x72: {  	_ =	shalt  }
0x73: {  	_ =	shalt  }
0x74: {  	_ =	shalt  }
0x75: {  	_ =	shalt  }
0x76: {  	_ =	shalt  }
0x77: {  	_ =	shalt  }
0x78: {  	_ =	shalt  }
0x79: {  	_ =	shalt  }
0x7a: {  	_ =	shalt  }
0x7b: {  	_ =	shalt  }
0x7c: {  	_ =	shalt  }
0x7d: {  	_ =	shalt  }
0x7e: {  	_ =	shalt  }
0x7f: {  	_ =	shalt  }
0x80: {  	_ =	shalt  }
0x81: {  	_ =	shalt  }
0x82: {  	_ =	shalt  }
0x83: {  	_ =	shalt  }
0x84: {  	_ =	shalt  }
0x85: {  	_ =	shalt  }
0x86: {  	_ =	shalt  }
0x87: {  	_ =	shalt  }
.Lfunc_end0:
.L_simem_size_0:
called_computation_lowered:
.L_overlay_start_0:
0x88: {  	s2 =	sld [smem:$0x3FD9]  }
0x89: {  	s3 =	sld [smem:$0x3FFE];
	_ =	sdelay $0x1  }
0x8a: {  	s1 =	srdreg.scid  }
0x8b: {  	s0 =	sand.u32 $0x1, s1  }
0x8c: {  	s17 =	sshll.u32 s0, $0xA;
	s2 =	sadd.s32 s3, s2  }
0x8d: {  	s2 =	sadd.s32 s2, s17  }
0x8e: {  	[smem:$0x3FC6] =	sst s2  }
0x8f: {  	_ = 	snop  }
0x90: {  	s2 =	sld [smem:$0x3FC9]  }
0x91: {  	s18 =	sld [smem:$0x3FD0];
	(tm) =	ssettm $0x1  }
0x92: {  	s4 =	sld [smem:$0x3FFB];
	_ =	sdelay $0x3  }
0x93: {  	_ =	strace s4  }
0x94: {  	s4 =	sld [smem:$0x3FFC];
	_ =	sdelay $0x3  }
0x95: {  	_ =	strace s4  }
0x96: {  	s4 =	sld [smem:$0x3FFD];
	_ =	sdelay $0x3  }
0x97: {  	_ =	strace s4  }
0x98: {  	_ =	strace $0x8FFFFFFF  }
0x99: {  	s19 =	sld [smem:$0x3FDB];
	_ =	sdelay $0x1  }
0x9a: {  	s5 =	simm.s32 $_scs_section_size  }
0x9b: {  	s6 =	simm.s32 $_size__tile_overlayer_lowered;
	s7 =	simm.s32 $_tile_overlayer_lowered  }
0x9c: {  	s22 =	simm.s32 $0x1BFF;
	s21 =	sshll.u32 s7, $0x1;
	s4 =	sadd.s32 s5, s19  }
0x9d: {  	s8 =	simm.s32 $0x0;
	s20 =	sshll.u32 s6, $0x1;
	s6 =	sadd.s32 s21, s4  }
0x9e: {  	[timem:s8], [sflag:s22] =	dma.local [hbm:s6], s20  }
0x9f: {  	_ =	swait.ge [sflag:s22], s20  }
0xa0: {  	s5 =	ssub.s32 $0x0, s20;
	[sflag:s22] =	ssyncset.done $0x0  }
0xa1: {  	[sflag:s22] =	ssyncadd.s32 s5;
	_ =	sdelay $0x1  }
0xa2: {  	s23 =	simm.s32 $0x1B8B  }
0xa3: {  	_ =	swait.ge [sflag:s23], $0x1  }
0xa4: {  	[sflag:s23] =	ssyncset.done $0x0  }
0xa5: {  	s25 =	simm.s32 $0x1B8E;
	s24 =	sld [smem:$0x3FFE];
	[sflag:s23] =	ssyncadd.s32 $0xFFFFFFFF  }
0xa6: {  	s26 =	simm.s32 $execute0_lowered;
	[smem:$0x3FD2] =	sst s25  }
0xa7: {  	s6 =	sshll.u32 s26, $0x1;
	_ =	strace $0x80000046;
	[dreg:$0x1] =	wrdreg $0xFFFFFFFF  }
0xa8: {  	s28 =	simm.s32 $_size_execute0_lowered;
	s4 =	sadd.s32 s4, s6;
	[dreg:$0x0] =	wrdreg $0x0  }
0xa9: {  	s6 =	sshll.u32 s28, $0x1;
	[dreg:$0x2] =	wrdreg s4  }
0xaa: {  	[dreg:$0x3] =	wrdreg s6  }
0xab: {  	[dreg:$0x4] =	wrdreg $0xC0  }
0xac: {  	_ =	task [dreg:s8], $0x5FFFF  }
0xad: {  	[dreg:$0x1] =	wrdreg $0xFFFFFFFF  }
0xae: {  	[dreg:$0x0] =	wrdreg $0x60  }
0xaf: {  	[dreg:$0x2] =	wrdreg s2  }
0xb0: {  	[dreg:$0x3] =	wrdreg s24  }
0xb1: {  	[dreg:$0x4] =	wrdreg s18  }
0xb2: {  	[dreg:$0x5] =	wrdreg $0x9  }
0xb3: {  	_ =	task.clear_ibuf [dreg:s8], $0x6FFFF;
	_ =	strace $0x90000046  }
0xb4: {  	s29 =	simm.s32 $0x9;
	_ =	strace $0x80000048  }
0xb5: {  	_ =	swait.ge [sflag:s29], $0x1  }
0xb6: {  	[sflag:s29] =	ssyncadd.s32 $0xFFFFFFFF  }
0xb7: {  	_ =	strace $0x90000048  }
0xb8: {  	_ =	sfence  }
0xb9: {  	s30 =	sld [smem:$0x0];
	_ =	sdelay $0x2  }
0xba: {  	s31 =	sshll.u32 s1, $0xD;
	s1 =	sshrl.u32 s1, $0x2  }
0xbb: {  	s3 =	sand.u32 $0x4000, s31;
	s1 =	sadd.s32 s1, s30  }
0xbc: {  	s0 =	sor.u32 s3, s0;
	s1 =	sshll.u32 s1, $0x11  }
0xbd: {  	s0 =	sor.u32 s1, s0  }
0xbe: {  	s0 =	sadd.s32 $0x8F2B, s0  }
0xbf: {  	[sflag:s0] =	ssyncadd.remote.s32 $0x1  }
0xc0: {  	_ =	sfence.sel $0xFFFF  }
0xc1: {  	[dreg:$0x0] =	wrdreg $0xFFFFFFFF;
	(pc) =	sbr.abs _section_cstart, $3  }
0xc2: {  	[dreg:$0x1] =	wrdreg $0xFFFFFFFF  }
0xc3: {  	_ =	task.clear_ibuf [dreg:s8], $0x2FFFF;
	_ =	strace $0x9FFFFFFF  }
0xc4: {  	(tm) =	ssettm $0x7FFFFFFF  }
0xc5: {  	_ =	shalt  }
tec
execute0_lowered:
.L_overlay_start_1:
0x0: {  	(tag) =	ssettag $0x1  }
0x1: {  	s6 =	rddreg [dreg:$0x0]  }
0x2: {  	s4 =	rddreg [dreg:$0x1]  }
0x3: {  	s1 =	rddreg [dreg:$0x2];
	s2 =	simm.s32 $0x0  }
0x4: {  	s0 =	simm.s32 $0x2A00;
	[smem:$0x7FF] =	sst s2  }
0x5: {  	s9 =	simm.s32 $0x3200;
	_ =	strace $0x80000047;
	[dreg:$0x4] =	wrdreg s0  }
0x6: {  	s10 =	simm.s32 $0x3A00;
	[dreg:$0x5] =	wrdreg s9  }
0x7: {  	s11 =	simm.s32 $0x4200;
	[dreg:$0x6] =	wrdreg s10  }
0x8: {  	s12 =	simm.s32 $0x4A00;
	[dreg:$0x7] =	wrdreg s11  }
0x9: {  	s13 =	simm.s32 $0x5200;
	[dreg:$0x8] =	wrdreg s12  }
0xa: {  	s14 =	simm.s32 $0x5A00;
	[dreg:$0x9] =	wrdreg s13  }
0xb: {  	s15 =	simm.s32 $0x6200;
	[dreg:$0xa] =	wrdreg s14  }
0xc: {  	s16 =	simm.s32 $0x6A00;
	[dreg:$0xb] =	wrdreg s15  }
0xd: {  	s17 =	simm.s32 $0x7200;
	[dreg:$0xc] =	wrdreg s16  }
0xe: {  	s18 =	simm.s32 $0x7A00;
	[dreg:$0xd] =	wrdreg s17  }
0xf: {  	s19 =	simm.s32 $0x8A00;
	[dreg:$0xe] =	wrdreg s18  }
0x10: {  	s20 =	simm.s32 $0x9200;
	[dreg:$0xf] =	wrdreg s19  }
0x11: {  	s21 =	simm.s32 $0x9A00;
	[dreg:$0x10] =	wrdreg s20  }
0x12: {  	s22 =	simm.s32 $0xA200;
	[dreg:$0x11] =	wrdreg s21  }
0x13: {  	s23 =	simm.s32 $0xAA00;
	[dreg:$0x12] =	wrdreg s22  }
0x14: {  	s25 =	simm.s32 $0xB200;
	[dreg:$0x13] =	wrdreg s23  }
0x15: {  	s26 =	simm.s32 $0xBA00;
	[dreg:$0x14] =	wrdreg s25  }
0x16: {  	[dreg:$0x15] =	wrdreg s26;
	s10 =	simm.s32 $0xC200  }
0x17: {  	s13 =	simm.s32 $0xD200;
	[dreg:$0x16] =	wrdreg s10  }
0x18: {  	s14 =	simm.s32 $0xDA00;
	[dreg:$0x18] =	wrdreg s13  }
0x19: {  	s5 =	srdreg.scid;
	s16 =	simm.s32 $0xEA00;
	[dreg:$0x19] =	wrdreg s14  }
0x1a: {  	s28 =	simm.s32 $0x5;
	s17 =	simm.s32 $0xF200;
	[dreg:$0x1a] =	wrdreg s16  }
0x1b: {  	s29 =	simm.s32 $0x6;
	s19 =	simm.s32 $0xFA00;
	[dreg:$0x1b] =	wrdreg s17  }
0x1c: {  	s30 =	simm.s32 $0x7;
	s20 =	simm.s32 $0x10200;
	[dreg:$0x1c] =	wrdreg s19  }
0x1d: {  	s31 =	simm.s32 $0x8;
	s22 =	simm.s32 $0x10A00;
	[dreg:$0x1d] =	wrdreg s20  }
0x1e: {  	s3 =	sadd.s32 $0x400, s4;
	s23 =	simm.s32 $0x11200;
	[dreg:$0x1e] =	wrdreg s22  }
0x1f: {  	s11 =	stileid.u32;
	s25 =	simm.s32 $0x11A00;
	[dreg:$0x1f] =	wrdreg s23  }
0x20: {  	s9 =	sand.u32 $0x1, s5;
	s10 =	simm.s32 $0xCA00;
	[smem:$0x7ED] =	sst s25  }
0x21: {  	s5 =	ssub.s32 $0x2, s9;
	s14 =	simm.s32 $0x13200;
	[dreg:$0x17] =	wrdreg s10  }
0x22: {  	s24 =	sshll.u32 s11, $0x1;
	s16 =	simm.s32 $0x14A00;
	[smem:$0x7F1] =	sst s14  }
0x23: {  	s13 =	sshll.u32 s11, $0xD;
	s17 =	simm.s32 $0x15200;
	[smem:$0x7F3] =	sst s16  }
0x24: {  	s19 =	simm.s32 $0x16200;
	s20 =	simm.s32 $0x16A00;
	[smem:$0x7F4] =	sst s17  }
0x25: {  	s22 =	simm.s32 $0x17A00;
	s23 =	simm.s32 $0x18200;
	[smem:$0x7F6] =	sst s19  }
0x26: {  	s25 =	simm.s32 $0x19200;
	s7 =	sshrl.u32 s5, $0x1;
	[smem:$0x7F7] =	sst s20  }
0x27: {  	s8 =	sor.u32 s9, s24;
	s9 =	sshll.u32 s9, $0xC;
	[smem:$0x7F9] =	sst s22  }
0x28: {  	s16 =	simm.s32 $0x100;
	s17 =	simm.s32 $0x9;
	[smem:$0x7FA] =	sst s23  }
0x29: {  	s19 =	simm.s32 $0x2200;
	s20 =	simm.s32 $0x8200;
	[smem:$0x7FC] =	sst s25  }
0x2a: {  	s22 =	simm.s32 $0x14200;
	s23 =	simm.s32 $0x1;
	s12 =	sshll.u32 s8, $0xA  }
0x2b: {  	s25 =	simm.s32 $0x3;
	s5 =	ssub.s32 s5, s7;
	s10 =	sadd.s32 s6, s12  }
0x2c: {  	s7 =	sand.u32 $0x3, s8;
	s12 =	simm.s32 $0x12A00;
	[smem:$0x7E9] =	sst s10  }
0x2d: {  	s18 =	smul.u32 $0x300000, s8;
	s15 =	sadd.s32 $0x10, s10;
	[smem:$0x7F0] =	sst s12  }
0x2e: {  	s8 =	sadd.s32 $0x600, s4;
	s10 =	simm.s32 $0x12200;
	[smem:$0x7EA] =	sst s15  }
0x2f: {  	s21 =	sshrl.u32 s18, $0x3;
	s18 =	simm.s32 $0x15A00;
	[smem:$0x7EF] =	sst s10  }
0x30: {  	s0 =	smul.u32 $0x241, s7;
	s15 =	simm.s32 $0x13A00;
	[smem:$0x7F5] =	sst s18  }
0x31: {  	s6 =	sadd.s32 s1, s21;
	s21 =	simm.s32 $0x17200;
	[smem:$0x7F2] =	sst s15  }
0x32: {  	s7 =	sadd.s32 $0x500, s4;
	s24 =	sadd.s32 $0x5DC00, s6;
	[smem:$0x7F8] =	sst s21  }
0x33: {  	s12 =	sor.u32 s9, s13;
	s26 =	sadd.s32 $0x5E800, s6;
	[smem:$0x7EB] =	sst s24  }
0x34: {  	s13 =	smax.u32 s5, $0x1;
	s6 =	sadd.s32 $0x5F400, s6;
	[smem:$0x7EC] =	sst s26  }
0x35: {  	[smem:$0x7EE] =	sst s6;
	s6 =	sshrl.u32 s12, $0x3;
	s24 =	simm.s32 $0x18A00  }
0x36: {  	v3 =	vlaneseq.u32;
	vm0 =	vmmov $0xffff;
	v0 =	vmov s0;
	s26 =	simm.s32 $0x19A00;
	s6 =	smul.u32 $0x300, s6;
	[smem:$0x7FB] =	sst s24  }
0x37: {  	v1 =	vand.u32 $0x7, v3;
	v2 =	vshrl.u32 v3, $0x3;
	s0 =	simm.s32 $0x0;
	s21 =	simm.s32 $0xE200;
	v0 =	vadd.s32 $0x1, v0;
	[smem:$0x7FD] =	sst s26  }
0x38: {  	v3 =	vor.u32 $0x8, v3;
	v2 =	vmul.u32 $0x8, v2;
	v0 =	vbroadcast v0, $0x0;
	s24 =	simm.s32 $0x2;
	s26 =	simm.s32 $0x4;
	s6 =	sadd.s32 s6, s1  }
.LBB2_1:
0x39: {  	s4 =	sld [smem:$0x7E9];
	_ =	sdelay $0x1  }
0x3a: {  	s5 =	simm.s32 $0x80  }
0x3b: {  	[tilespmem:s2], [sflag:$0x9] =	stream.strided.gather [hbm4b:s4+s5], $0x1000, s16, s5, $0x38;
	[tilespmem:$0x1A200] =	vst v63  }
0x3c: {  	_ =	swait.ge [sflag:s17], $0x1000  }
0x3d: {  	s18 =	sld [smem:$0x7EA]  }
0x3e: {  	[sflag:s17] =	ssyncset.done $0x0  }
0x3f: {  	s9 =	simm.s32 $0x1000;
	[sflag:s17] =	ssyncadd.s32 $0xFFFFF000  }
0x40: {  	[tilespmem:s9], [sflag:$0x9] =	stream.strided.gather [hbm4b:s18+s5], $0x1000, s16, s5, $0x38;
	[tilespmem:$0x1A200] =	vst v63  }
0x41: {  	_ =	swait.ge [sflag:s17], $0x1000  }
0x42: {  	s14 =	smov.u32 s6;
	s4 =	simm.s32 $0x1040;
	[sflag:s17] =	ssyncset.done $0x0  }
0x43: {  	s18 =	simm.s32 $0x40;
	s5 =	simm.s32 $0x0;
	[sflag:s17] =	ssyncadd.s32 $0xFFFFF000  }
.LBB2_2:
0x44: {  	p0 =	seq.s32 s5, $0x0  }
0x45: {  	s9 =	simm.s32 @!p0 $0x5  }
0x46: {  	_ =	swait.ge @!p0 [sflag:s9], $0x6000  }
0x47: {  	[sflag:s9] =	ssyncset.done @!p0 $0x0  }
0x48: {  	[sflag:s9] =	ssyncadd.s32 @!p0 $0xFFFFA000  }
0x49: {  	v4 =	vld [tilespmem:s18+$0xFFFFFFC0]  }
0x4a: {  	v5 =	vld [tilespmem:s4+$0xFFFFFFC0];
	_ =	sdelay $0x3  }
0x4b: {  	v4 =	vmul.f32 $2.400000000e+01, v4  }
0x4c: {  	v5 =	vmul.f32 $2.400000000e+01, v5  }
0x4d: {  	v4 =	vtrunc.f32 v4  }
0x4e: {  	v5 =	vtrunc.f32 v5;
	v4 =	vcvt.f32.s32 v4  }
0x4f: {  	v5 =	vcvt.f32.s32 v5  }
0x50: {  	v4 =	vmul.u32 $0x18, v4  }
0x51: {  	v5 =	vadd.s32 v5, v0  }
0x52: {  	v4 =	vadd.s32 v4, v5  }
0x53: {  	[tilespmem:$0x2000] =	vst v4  }
0x54: {  	v6 =	vld [tilespmem:s18+$0xFFFFFFD0]  }
0x55: {  	v7 =	vld [tilespmem:s4+$0xFFFFFFD0];
	_ =	sdelay $0x1  }
0x56: {  	v4 =	vshrl.u32 v4, $0x3  }
0x57: {  	v4 =	vmul.u32 $0x30, v4  }
0x58: {  	v5 =	vand.u32 $0x7, v5;
	v6 =	vmul.f32 $2.400000000e+01, v6  }
0x59: {  	v4 =	vor.u32 v5, v4;
	v7 =	vmul.f32 $2.400000000e+01, v7  }
0x5a: {  	v54 =	vperm.xlane v4, v1;
	v5 =	vtrunc.f32 v6  }
0x5b: {  	v7 =	vtrunc.f32 v7;
	v5 =	vcvt.f32.s32 v5  }
0x5c: {  	v6 =	vadd.s32 v2, v54;
	v7 =	vcvt.f32.s32 v7  }
0x5d: {  	v5 =	vmul.u32 $0x18, v5  }
0x5e: {  	v7 =	vadd.s32 v7, v0  }
0x5f: {  	v5 =	vadd.s32 v5, v7  }
0x60: {  	v4 =	vperm.xlane v4, v3;
	[tilespmem:$0x2010] =	vst v5  }
0x61: {  	[tilespmem:s19], [sflag:$0x1] =	stream.indirect_vreg.gather [hbm4b:s3+s2], $0x80, v6, vm0, $0xb8;
	[tilespmem:$0x1A200] =	vst v63  }
0x62: {  	s11 =	rddreg [dreg:$0x4];
	v4 =	vadd.s32 v2, v4  }
0x63: {  	[tilespmem:s11], [sflag:$0x1] =	stream.indirect_vreg.gather [hbm4b:s7+s2], $0x80, v6, vm0, $0xb8;
	[tilespmem:$0x1A200] =	vst v63  }
0x64: {  	s10 =	rddreg [dreg:$0x5]  }
0x65: {  	[tilespmem:s10], [sflag:$0x1] =	stream.indirect_vreg.gather [hbm4b:s8+s2], $0x80, v6, vm0, $0xb8;
	[tilespmem:$0x1A200] =	vst v63  }
0x66: {  	s15 =	rddreg [dreg:$0x6]  }
0x67: {  	[tilespmem:s15], [sflag:$0x1] =	stream.indirect_vreg.gather [hbm4b:s3+s2], $0x80, v4, vm0, $0xb8;
	[tilespmem:$0x1A200] =	vst v63  }
0x68: {  	s11 =	rddreg [dreg:$0x7]  }
0x69: {  	[tilespmem:s11], [sflag:$0x1] =	stream.indirect_vreg.gather [hbm4b:s7+s2], $0x80, v4, vm0, $0xb8;
	[tilespmem:$0x1A200] =	vst v63  }
0x6a: {  	s15 =	rddreg [dreg:$0x8]  }
0x6b: {  	[tilespmem:s15], [sflag:$0x1] =	stream.indirect_vreg.gather [hbm4b:s8+s2], $0x80, v4, vm0, $0xb8;
	[tilespmem:$0x1A200] =	vst v63  }
0x6c: {  	v4 =	vld [tilespmem:$0x2010];
	_ =	sdelay $0x4  }
0x6d: {  	v5 =	vshrl.u32 v4, $0x3  }
0x6e: {  	v5 =	vmul.u32 $0x30, v5  }
0x6f: {  	v4 =	vand.u32 $0x7, v4  }
0x70: {  	v4 =	vor.u32 v4, v5  }
0x71: {  	v5 =	vperm.xlane v4, v1;
	_ =	sdelay $0x1  }
0x72: {  	v5 =	vadd.s32 v2, v5;
	_ =	sdelay $0x3  }
0x73: {  	s11 =	rddreg [dreg:$0x9];
	v4 =	vperm.xlane v4, v3  }
0x74: {  	[tilespmem:s11], [sflag:$0x1] =	stream.indirect_vreg.gather [hbm4b:s3+s2], $0x80, v5, vm0, $0xb8;
	[tilespmem:$0x1A200] =	vst v63  }
0x75: {  	s15 =	rddreg [dreg:$0xa];
	v4 =	vadd.s32 v2, v4  }
0x76: {  	[tilespmem:s15], [sflag:$0x1] =	stream.indirect_vreg.gather [hbm4b:s7+s2], $0x80, v5, vm0, $0xb8;
	[tilespmem:$0x1A200] =	vst v63  }
0x77: {  	s11 =	rddreg [dreg:$0xb]  }
0x78: {  	[tilespmem:s11], [sflag:$0x1] =	stream.indirect_vreg.gather [hbm4b:s8+s2], $0x80, v5, vm0, $0xb8;
	[tilespmem:$0x1A200] =	vst v63  }
0x79: {  	s15 =	rddreg [dreg:$0xc]  }
0x7a: {  	[tilespmem:s15], [sflag:$0x1] =	stream.indirect_vreg.gather [hbm4b:s3+s2], $0x80, v4, vm0, $0xb8;
	[tilespmem:$0x1A200] =	vst v63  }
0x7b: {  	s9 =	sadd.s32 @!p0 s5, s12;
	s11 =	rddreg [dreg:$0xd]  }
0x7c: {  	[tilespmem:s11], [sflag:$0x1] =	stream.indirect_vreg.gather [hbm4b:s7+s2], $0x80, v4, vm0, $0xb8;
	[tilespmem:$0x1A200] =	vst v63  }
0x7d: {  	s11 =	sadd.s32 @!p0 $0xFFFFFFA0, s9  }
0x7e: {  	s10 =	simm.s32 @!p0 $0x2;
	s15 =	rddreg [dreg:$0xe];
	s11 =	sshrl.u32 @!p0 s11, $0x3  }
0x7f: {  	[tilespmem:s15], [sflag:$0x1] =	stream.indirect_vreg.gather [hbm4b:s8+s2], $0x80, v4, vm0, $0xb8;
	[tilespmem:$0x1A200] =	vst v63  }
0x80: {  	s11 =	smul.u32 @!p0 $0x300, s11;
	_ =	swait.ge @!p0 [sflag:s10], $0x6000  }
0x81: {  	s15 =	simm.s32 @!p0 $0x8200;
	[sflag:s10] =	ssyncset.done @!p0 $0x0  }
0x82: {  	s11 =	sadd.s32 @!p0 s1, s11;
	[sflag:s10] =	ssyncadd.s32 @!p0 $0xFFFFA000;
	s10 =	simm.s32 @!p0 $0x0  }
0x83: {  	[hbm4b:s11+s10] =	stream.linear.scatter @!p0 [tilespmem:s15], [sflag:$0x6], $0x6000, $0x38;
	[tilespmem:$0x1A200] =	vst v63  }
0x84: {  	s11 =	simm.s32 @!p0 $0x6  }
0x85: {  	_ =	swait.ge @!p0 [sflag:s11], $0x6000  }
0x86: {  	[sflag:s11] =	ssyncset.done @!p0 $0x0  }
0x87: {  	[sflag:s11] =	ssyncadd.s32 @!p0 $0xFFFFA000  }
0x88: {  	v4 =	vld [tilespmem:s18+$0xFFFFFFE0]  }
0x89: {  	v5 =	vld [tilespmem:s4+$0xFFFFFFE0];
	_ =	sdelay $0x3  }
0x8a: {  	v4 =	vmul.f32 $2.400000000e+01, v4  }
0x8b: {  	v5 =	vmul.f32 $2.400000000e+01, v5  }
0x8c: {  	v4 =	vtrunc.f32 v4  }
0x8d: {  	v5 =	vtrunc.f32 v5;
	v4 =	vcvt.f32.s32 v4  }
0x8e: {  	v5 =	vcvt.f32.s32 v5  }
0x8f: {  	v4 =	vmul.u32 $0x18, v4  }
0x90: {  	v5 =	vadd.s32 v5, v0  }
0x91: {  	v4 =	vadd.s32 v4, v5  }
0x92: {  	[tilespmem:$0x2080] =	vst v4  }
0x93: {  	v55 =	vld [tilespmem:s18+$0xFFFFFFF0]  }
0x94: {  	v56 =	vld [tilespmem:s4+$0xFFFFFFF0];
	_ =	sdelay $0x1  }
0x95: {  	v4 =	vshrl.u32 v4, $0x3  }
0x96: {  	v4 =	vmul.u32 $0x30, v4  }
0x97: {  	v5 =	vand.u32 $0x7, v5;
	v6 =	vmul.f32 $2.400000000e+01, v55  }
0x98: {  	v4 =	vor.u32 v5, v4;
	v7 =	vmul.f32 $2.400000000e+01, v56  }
0x99: {  	v57 =	vperm.xlane v4, v1;
	v5 =	vtrunc.f32 v6  }
0x9a: {  	v7 =	vtrunc.f32 v7;
	v5 =	vcvt.f32.s32 v5  }
0x9b: {  	v6 =	vadd.s32 v2, v57;
	v7 =	vcvt.f32.s32 v7  }
0x9c: {  	v5 =	vmul.u32 $0x18, v5  }
0x9d: {  	v7 =	vadd.s32 v7, v0  }
0x9e: {  	v5 =	vadd.s32 v5, v7  }
0x9f: {  	v4 =	vperm.xlane v4, v3;
	[tilespmem:$0x2090] =	vst v5  }
0xa0: {  	[tilespmem:s20], [sflag:$0x2] =	stream.indirect_vreg.gather [hbm4b:s3+s2], $0x80, v6, vm0, $0xb8;
	[tilespmem:$0x1A200] =	vst v63  }
0xa1: {  	s11 =	rddreg [dreg:$0xf];
	v4 =	vadd.s32 v2, v4  }
0xa2: {  	[tilespmem:s11], [sflag:$0x2] =	stream.indirect_vreg.gather [hbm4b:s7+s2], $0x80, v6, vm0, $0xb8;
	[tilespmem:$0x1A200] =	vst v63  }
0xa3: {  	s15 =	rddreg [dreg:$0x10]  }
0xa4: {  	[tilespmem:s15], [sflag:$0x2] =	stream.indirect_vreg.gather [hbm4b:s8+s2], $0x80, v6, vm0, $0xb8;
	[tilespmem:$0x1A200] =	vst v63  }
0xa5: {  	s11 =	rddreg [dreg:$0x11]  }
0xa6: {  	[tilespmem:s11], [sflag:$0x2] =	stream.indirect_vreg.gather [hbm4b:s3+s2], $0x80, v4, vm0, $0xb8;
	[tilespmem:$0x1A200] =	vst v63  }
0xa7: {  	s15 =	rddreg [dreg:$0x12]  }
0xa8: {  	[tilespmem:s15], [sflag:$0x2] =	stream.indirect_vreg.gather [hbm4b:s7+s2], $0x80, v4, vm0, $0xb8;
	[tilespmem:$0x1A200] =	vst v63  }
0xa9: {  	s11 =	rddreg [dreg:$0x13]  }
0xaa: {  	[tilespmem:s11], [sflag:$0x2] =	stream.indirect_vreg.gather [hbm4b:s8+s2], $0x80, v4, vm0, $0xb8;
	[tilespmem:$0x1A200] =	vst v63  }
0xab: {  	v4 =	vld [tilespmem:$0x2090];
	_ =	sdelay $0x4  }
0xac: {  	v5 =	vshrl.u32 v4, $0x3  }
0xad: {  	v5 =	vmul.u32 $0x30, v5  }
0xae: {  	v4 =	vand.u32 $0x7, v4  }
0xaf: {  	v4 =	vor.u32 v4, v5  }
0xb0: {  	v5 =	vperm.xlane v4, v1;
	_ =	sdelay $0x1  }
0xb1: {  	v5 =	vadd.s32 v2, v5;
	_ =	sdelay $0x3  }
0xb2: {  	s11 =	rddreg [dreg:$0x14];
	v4 =	vperm.xlane v4, v3  }
0xb3: {  	[tilespmem:s11], [sflag:$0x2] =	stream.indirect_vreg.gather [hbm4b:s3+s2], $0x80, v5, vm0, $0xb8;
	[tilespmem:$0x1A200] =	vst v63  }
0xb4: {  	s15 =	rddreg [dreg:$0x15];
	v4 =	vadd.s32 v2, v4  }
0xb5: {  	[tilespmem:s15], [sflag:$0x2] =	stream.indirect_vreg.gather [hbm4b:s7+s2], $0x80, v5, vm0, $0xb8;
	[tilespmem:$0x1A200] =	vst v63  }
0xb6: {  	s11 =	rddreg [dreg:$0x16]  }
0xb7: {  	[tilespmem:s11], [sflag:$0x2] =	stream.indirect_vreg.gather [hbm4b:s8+s2], $0x80, v5, vm0, $0xb8;
	[tilespmem:$0x1A200] =	vst v63  }
0xb8: {  	s15 =	rddreg [dreg:$0x17]  }
0xb9: {  	[tilespmem:s15], [sflag:$0x2] =	stream.indirect_vreg.gather [hbm4b:s3+s2], $0x80, v4, vm0, $0xb8;
	[tilespmem:$0x1A200] =	vst v63  }
0xba: {  	s11 =	rddreg [dreg:$0x18]  }
0xbb: {  	[tilespmem:s11], [sflag:$0x2] =	stream.indirect_vreg.gather [hbm4b:s7+s2], $0x80, v4, vm0, $0xb8;
	[tilespmem:$0x1A200] =	vst v63  }
0xbc: {  	s15 =	rddreg [dreg:$0x19];
	s11 =	sadd.s32 @!p0 $0xFFFFFFC0, s9  }
0xbd: {  	[tilespmem:s15], [sflag:$0x2] =	stream.indirect_vreg.gather [hbm4b:s8+s2], $0x80, v4, vm0, $0xb8;
	[tilespmem:$0x1A200] =	vst v63  }
0xbe: {  	s11 =	sshrl.u32 @!p0 s11, $0x3;
	s15 =	simm.s32 @!p0 $0x3  }
0xbf: {  	s11 =	smul.u32 @!p0 $0x300, s11;
	_ =	swait.ge @!p0 [sflag:s15], $0x6000  }
0xc0: {  	[sflag:s15] =	ssyncset.done @!p0 $0x0  }
0xc1: {  	s11 =	sadd.s32 @!p0 s1, s11;
	[sflag:s15] =	ssyncadd.s32 @!p0 $0xFFFFA000;
	s15 =	simm.s32 @!p0 $0xE200  }
0xc2: {  	[hbm4b:s11+s10] =	stream.linear.scatter @!p0 [tilespmem:s15], [sflag:$0x7], $0x6000, $0x38;
	[tilespmem:$0x1A200] =	vst v63  }
0xc3: {  	s11 =	simm.s32 @!p0 $0x7  }
0xc4: {  	_ =	swait.ge @!p0 [sflag:s11], $0x6000  }
0xc5: {  	[sflag:s11] =	ssyncset.done @!p0 $0x0  }
0xc6: {  	[sflag:s11] =	ssyncadd.s32 @!p0 $0xFFFFA000  }
0xc7: {  	v4 =	vld [tilespmem:s18+$0x0]  }
0xc8: {  	v5 =	vld [tilespmem:s4+$0x0];
	_ =	sdelay $0x3  }
0xc9: {  	v4 =	vmul.f32 $2.400000000e+01, v4  }
0xca: {  	v5 =	vmul.f32 $2.400000000e+01, v5  }
0xcb: {  	v4 =	vtrunc.f32 v4  }
0xcc: {  	v5 =	vtrunc.f32 v5;
	v4 =	vcvt.f32.s32 v4  }
0xcd: {  	v5 =	vcvt.f32.s32 v5  }
0xce: {  	v4 =	vmul.u32 $0x18, v4  }
0xcf: {  	v5 =	vadd.s32 v5, v0  }
0xd0: {  	v4 =	vadd.s32 v4, v5  }
0xd1: {  	[tilespmem:$0x2100] =	vst v4  }
0xd2: {  	v58 =	vld [tilespmem:s18+$0x10]  }
0xd3: {  	v59 =	vld [tilespmem:s4+$0x10];
	_ =	sdelay $0x1  }
0xd4: {  	v4 =	vshrl.u32 v4, $0x3  }
0xd5: {  	v4 =	vmul.u32 $0x30, v4  }
0xd6: {  	v5 =	vand.u32 $0x7, v5;
	v6 =	vmul.f32 $2.400000000e+01, v58  }
0xd7: {  	v4 =	vor.u32 v5, v4;
	v7 =	vmul.f32 $2.400000000e+01, v59  }
0xd8: {  	v60 =	vperm.xlane v4, v1;
	v5 =	vtrunc.f32 v6  }
0xd9: {  	v7 =	vtrunc.f32 v7;
	v5 =	vcvt.f32.s32 v5  }
0xda: {  	v6 =	vadd.s32 v2, v60;
	v7 =	vcvt.f32.s32 v7  }
0xdb: {  	v5 =	vmul.u32 $0x18, v5  }
0xdc: {  	v7 =	vadd.s32 v7, v0  }
0xdd: {  	v5 =	vadd.s32 v5, v7  }
0xde: {  	v4 =	vperm.xlane v4, v3;
	[tilespmem:$0x2110] =	vst v5  }
0xdf: {  	[tilespmem:s21], [sflag:$0x3] =	stream.indirect_vreg.gather [hbm4b:s3+s2], $0x80, v6, vm0, $0xb8;
	[tilespmem:$0x1A200] =	vst v63  }
0xe0: {  	s11 =	rddreg [dreg:$0x1a];
	v4 =	vadd.s32 v2, v4  }
0xe1: {  	[tilespmem:s11], [sflag:$0x3] =	stream.indirect_vreg.gather [hbm4b:s7+s2], $0x80, v6, vm0, $0xb8;
	[tilespmem:$0x1A200] =	vst v63  }
0xe2: {  	s15 =	rddreg [dreg:$0x1b]  }
0xe3: {  	[tilespmem:s15], [sflag:$0x3] =	stream.indirect_vreg.gather [hbm4b:s8+s2], $0x80, v6, vm0, $0xb8;
	[tilespmem:$0x1A200] =	vst v63  }
0xe4: {  	s11 =	rddreg [dreg:$0x1c]  }
0xe5: {  	[tilespmem:s11], [sflag:$0x3] =	stream.indirect_vreg.gather [hbm4b:s3+s2], $0x80, v4, vm0, $0xb8;
	[tilespmem:$0x1A200] =	vst v63  }
0xe6: {  	s15 =	rddreg [dreg:$0x1d]  }
0xe7: {  	[tilespmem:s15], [sflag:$0x3] =	stream.indirect_vreg.gather [hbm4b:s7+s2], $0x80, v4, vm0, $0xb8;
	[tilespmem:$0x1A200] =	vst v63  }
0xe8: {  	s11 =	rddreg [dreg:$0x1e]  }
0xe9: {  	[tilespmem:s11], [sflag:$0x3] =	stream.indirect_vreg.gather [hbm4b:s8+s2], $0x80, v4, vm0, $0xb8;
	[tilespmem:$0x1A200] =	vst v63  }
0xea: {  	v4 =	vld [tilespmem:$0x2110];
	_ =	sdelay $0x4  }
0xeb: {  	v5 =	vshrl.u32 v4, $0x3  }
0xec: {  	v5 =	vmul.u32 $0x30, v5  }
0xed: {  	v4 =	vand.u32 $0x7, v4  }
0xee: {  	v4 =	vor.u32 v4, v5  }
0xef: {  	v5 =	vperm.xlane v4, v1;
	_ =	sdelay $0x1  }
0xf0: {  	v5 =	vadd.s32 v2, v5;
	_ =	sdelay $0x2  }
0xf1: {  	s15 =	sld [smem:$0x7ED]  }
0xf2: {  	s11 =	rddreg [dreg:$0x1f];
	v4 =	vperm.xlane v4, v3  }
0xf3: {  	[tilespmem:s11], [sflag:$0x3] =	stream.indirect_vreg.gather [hbm4b:s3+s2], $0x80, v5, vm0, $0xb8;
	[tilespmem:$0x1A200] =	vst v63  }
0xf4: {  	v4 =	vadd.s32 v2, v4;
	s11 =	sld [smem:$0x7EF]  }
0xf5: {  	[tilespmem:s15], [sflag:$0x3] =	stream.indirect_vreg.gather [hbm4b:s7+s2], $0x80, v5, vm0, $0xb8;
	[tilespmem:$0x1A200] =	vst v63  }
0xf6: {  	s15 =	sld [smem:$0x7F0]  }
0xf7: {  	[tilespmem:s11], [sflag:$0x3] =	stream.indirect_vreg.gather [hbm4b:s8+s2], $0x80, v5, vm0, $0xb8;
	[tilespmem:$0x1A200] =	vst v63  }
0xf8: {  	s11 =	sld [smem:$0x7F1]  }
0xf9: {  	[tilespmem:s15], [sflag:$0x3] =	stream.indirect_vreg.gather [hbm4b:s3+s2], $0x80, v4, vm0, $0xb8;
	[tilespmem:$0x1A200] =	vst v63  }
0xfa: {  	s9 =	sadd.s32 @!p0 $0xFFFFFFE0, s9;
	s15 =	sld [smem:$0x7F2]  }
0xfb: {  	[tilespmem:s11], [sflag:$0x3] =	stream.indirect_vreg.gather [hbm4b:s7+s2], $0x80, v4, vm0, $0xb8;
	[tilespmem:$0x1A200] =	vst v63  }
0xfc: {  	s9 =	sshrl.u32 @!p0 s9, $0x3;
	s11 =	simm.s32 @!p0 $0x4  }
0xfd: {  	[tilespmem:s15], [sflag:$0x3] =	stream.indirect_vreg.gather [hbm4b:s8+s2], $0x80, v4, vm0, $0xb8;
	[tilespmem:$0x1A200] =	vst v63  }
0xfe: {  	s9 =	smul.u32 @!p0 $0x300, s9;
	_ =	swait.ge @!p0 [sflag:s11], $0x6000  }
0xff: {  	[sflag:s11] =	ssyncset.done @!p0 $0x0  }
0x100: {  	s9 =	sadd.s32 @!p0 s1, s9;
	[sflag:s11] =	ssyncadd.s32 @!p0 $0xFFFFA000;
	s11 =	simm.s32 @!p0 $0x14200  }
0x101: {  	[hbm4b:s9+s10] =	stream.linear.scatter @!p0 [tilespmem:s11], [sflag:$0x8], $0x6000, $0x38;
	[tilespmem:$0x1A200] =	vst v63  }
0x102: {  	s9 =	simm.s32 @!p0 $0x8  }
0x103: {  	_ =	swait.ge @!p0 [sflag:s9], $0x6000  }
0x104: {  	[sflag:s9] =	ssyncset.done @!p0 $0x0  }
0x105: {  	[sflag:s9] =	ssyncadd.s32 @!p0 $0xFFFFA000  }
0x106: {  	v4 =	vld [tilespmem:s18+$0x20]  }
0x107: {  	v5 =	vld [tilespmem:s4+$0x20];
	_ =	sdelay $0x3  }
0x108: {  	v4 =	vmul.f32 $2.400000000e+01, v4  }
0x109: {  	v5 =	vmul.f32 $2.400000000e+01, v5  }
0x10a: {  	v4 =	vtrunc.f32 v4  }
0x10b: {  	v5 =	vtrunc.f32 v5;
	v4 =	vcvt.f32.s32 v4  }
0x10c: {  	v5 =	vcvt.f32.s32 v5  }
0x10d: {  	v4 =	vmul.u32 $0x18, v4  }
0x10e: {  	v5 =	vadd.s32 v5, v0  }
0x10f: {  	v4 =	vadd.s32 v4, v5  }
0x110: {  	[tilespmem:$0x2180] =	vst v4  }
0x111: {  	v61 =	vld [tilespmem:s18+$0x30]  }
0x112: {  	v62 =	vld [tilespmem:s4+$0x30];
	_ =	sdelay $0x1  }
0x113: {  	v4 =	vshrl.u32 v4, $0x3  }
0x114: {  	v4 =	vmul.u32 $0x30, v4  }
0x115: {  	v5 =	vand.u32 $0x7, v5;
	v6 =	vmul.f32 $2.400000000e+01, v61  }
0x116: {  	v4 =	vor.u32 v5, v4;
	v7 =	vmul.f32 $2.400000000e+01, v62  }
0x117: {  	v63 =	vperm.xlane v4, v1;
	v5 =	vtrunc.f32 v6  }
0x118: {  	v7 =	vtrunc.f32 v7;
	v5 =	vcvt.f32.s32 v5  }
0x119: {  	v6 =	vadd.s32 v2, v63;
	v7 =	vcvt.f32.s32 v7  }
0x11a: {  	v5 =	vmul.u32 $0x18, v5  }
0x11b: {  	v7 =	vadd.s32 v7, v0  }
0x11c: {  	v5 =	vadd.s32 v5, v7  }
0x11d: {  	s10 =	sld [smem:$0x7F3];
	v4 =	vperm.xlane v4, v3;
	[tilespmem:$0x2190] =	vst v5  }
0x11e: {  	[tilespmem:s22], [sflag:$0x4] =	stream.indirect_vreg.gather [hbm4b:s3+s2], $0x80, v6, vm0, $0xb8;
	[tilespmem:$0x1A200] =	vst v63  }
0x11f: {  	s11 =	sld [smem:$0x7F4];
	v4 =	vadd.s32 v2, v4  }
0x120: {  	[tilespmem:s10], [sflag:$0x4] =	stream.indirect_vreg.gather [hbm4b:s7+s2], $0x80, v6, vm0, $0xb8;
	[tilespmem:$0x1A200] =	vst v63  }
0x121: {  	s15 =	sld [smem:$0x7F5]  }
0x122: {  	[tilespmem:s11], [sflag:$0x4] =	stream.indirect_vreg.gather [hbm4b:s8+s2], $0x80, v6, vm0, $0xb8;
	[tilespmem:$0x1A200] =	vst v63  }
0x123: {  	s11 =	sld [smem:$0x7F6]  }
0x124: {  	[tilespmem:s15], [sflag:$0x4] =	stream.indirect_vreg.gather [hbm4b:s3+s2], $0x80, v4, vm0, $0xb8;
	[tilespmem:$0x1A200] =	vst v63  }
0x125: {  	s15 =	sld [smem:$0x7F7]  }
0x126: {  	[tilespmem:s11], [sflag:$0x4] =	stream.indirect_vreg.gather [hbm4b:s7+s2], $0x80, v4, vm0, $0xb8;
	[tilespmem:$0x1A200] =	vst v63  }
0x127: {  	_ = 	snop  }
0x128: {  	[tilespmem:s15], [sflag:$0x4] =	stream.indirect_vreg.gather [hbm4b:s8+s2], $0x80, v4, vm0, $0xb8;
	[tilespmem:$0x1A200] =	vst v63  }
0x129: {  	v4 =	vld [tilespmem:$0x2190];
	_ =	sdelay $0x4  }
0x12a: {  	v5 =	vshrl.u32 v4, $0x3  }
0x12b: {  	v5 =	vmul.u32 $0x30, v5  }
0x12c: {  	v4 =	vand.u32 $0x7, v4  }
0x12d: {  	v4 =	vor.u32 v4, v5  }
0x12e: {  	v5 =	vperm.xlane v4, v1;
	_ =	sdelay $0x1  }
0x12f: {  	v5 =	vadd.s32 v2, v5;
	_ =	sdelay $0x1  }
0x130: {  	s11 =	sld [smem:$0x7F8];
	_ =	sdelay $0x1  }
0x131: {  	s15 =	sld [smem:$0x7F9];
	v4 =	vperm.xlane v4, v3  }
0x132: {  	[tilespmem:s11], [sflag:$0x4] =	stream.indirect_vreg.gather [hbm4b:s3+s2], $0x80, v5, vm0, $0xb8;
	[tilespmem:$0x1A200] =	vst v63  }
0x133: {  	v4 =	vadd.s32 v2, v4;
	s11 =	sld [smem:$0x7FA]  }
0x134: {  	[tilespmem:s15], [sflag:$0x4] =	stream.indirect_vreg.gather [hbm4b:s7+s2], $0x80, v5, vm0, $0xb8;
	[tilespmem:$0x1A200] =	vst v63  }
0x135: {  	s15 =	sld [smem:$0x7FB]  }
0x136: {  	[tilespmem:s11], [sflag:$0x4] =	stream.indirect_vreg.gather [hbm4b:s8+s2], $0x80, v5, vm0, $0xb8;
	[tilespmem:$0x1A200] =	vst v63  }
0x137: {  	s11 =	sld [smem:$0x7FC]  }
0x138: {  	[tilespmem:s15], [sflag:$0x4] =	stream.indirect_vreg.gather [hbm4b:s3+s2], $0x80, v4, vm0, $0xb8;
	[tilespmem:$0x1A200] =	vst v63  }
0x139: {  	s5 =	sadd.s32 $0x80, s5;
	s15 =	sld [smem:$0x7FD]  }
0x13a: {  	[tilespmem:s11], [sflag:$0x4] =	stream.indirect_vreg.gather [hbm4b:s7+s2], $0x80, v4, vm0, $0xb8;
	[tilespmem:$0x1A200] =	vst v63  }
0x13b: {  	p0 =	sne.s32 s5, $0x1000  }
0x13c: {  	[tilespmem:s15], [sflag:$0x4] =	stream.indirect_vreg.gather [hbm4b:s8+s2], $0x80, v4, vm0, $0xb8;
	[tilespmem:$0x1A200] =	vst v63  }
.Ltmp0:
0x13d: {  	_ =	swait.ge [sflag:s23], $0x6000;
	(pc) =	sbr.rel @p0 .LBB2_2-.Ltmp0, $4  }
0x13e: {  	[sflag:s23] =	ssyncset.done $0x0  }
0x13f: {  	[sflag:s23] =	ssyncadd.s32 $0xFFFFA000  }
0x140: {  	[hbm4b:s14+s2] =	stream.linear.scatter [tilespmem:s19], [sflag:$0x5], $0x6000, $0x38;
	[tilespmem:$0x1A200] =	vst v63  }
0x141: {  	s4 =	sadd.s32 $0x80, s4;
	s18 =	sadd.s32 $0x80, s18;
	s14 =	sadd.s32 $0x3000, s14  }
0x142: {  	_ =	swait.ge [sflag:s24], $0x6000  }
0x143: {  	s4 =	sld [smem:$0x7EB]  }
0x144: {  	[sflag:s24] =	ssyncset.done $0x0  }
0x145: {  	[sflag:s24] =	ssyncadd.s32 $0xFFFFA000  }
0x146: {  	[hbm4b:s4+s2] =	stream.linear.scatter [tilespmem:s20], [sflag:$0x6], $0x6000, $0x38;
	[tilespmem:$0x1A200] =	vst v63  }
0x147: {  	_ =	swait.ge [sflag:s25], $0x6000  }
0x148: {  	s15 =	sld [smem:$0x7EC]  }
0x149: {  	[sflag:s25] =	ssyncset.done $0x0  }
0x14a: {  	[sflag:s25] =	ssyncadd.s32 $0xFFFFA000  }
0x14b: {  	[hbm4b:s15+s2] =	stream.linear.scatter [tilespmem:s21], [sflag:$0x7], $0x6000, $0x38;
	[tilespmem:$0x1A200] =	vst v63  }
0x14c: {  	_ =	swait.ge [sflag:s26], $0x6000  }
0x14d: {  	s18 =	sld [smem:$0x7EE]  }
0x14e: {  	[sflag:s26] =	ssyncset.done $0x0  }
0x14f: {  	[sflag:s26] =	ssyncadd.s32 $0xFFFFA000  }
0x150: {  	[hbm4b:s18+s2] =	stream.linear.scatter [tilespmem:s22], [sflag:$0x8], $0x6000, $0x38;
	[tilespmem:$0x1A200] =	vst v63  }
0x151: {  	_ =	swait.ge [sflag:s28], $0x6000  }
0x152: {  	[sflag:s28] =	ssyncset.done $0x0  }
0x153: {  	[sflag:s28] =	ssyncadd.s32 $0xFFFFA000  }
0x154: {  	_ =	swait.ge [sflag:s29], $0x6000  }
0x155: {  	[sflag:s29] =	ssyncset.done $0x0  }
0x156: {  	s0 =	sadd.s32 $0x1, s0;
	[sflag:s29] =	ssyncadd.s32 $0xFFFFA000  }
0x157: {  	p0 =	sne.s32 s0, s13;
	_ =	swait.ge [sflag:s30], $0x6000  }
.Ltmp1:
0x158: {  	[sflag:s30] =	ssyncset.done $0x0;
	(pc) =	sbr.rel @p0 .LBB2_1-.Ltmp1, $4  }
0x159: {  	[sflag:s30] =	ssyncadd.s32 $0xFFFFA000  }
0x15a: {  	_ =	swait.ge [sflag:s31], $0x6000  }
0x15b: {  	[sflag:s31] =	ssyncset.done $0x0  }
0x15c: {  	[sflag:s31] =	ssyncadd.s32 $0xFFFFA000  }
0x15d: {  	_ =	sfence.sel $0x180000  }
0x15e: {  	[bflag:$0x0] =	sbarrier.arrive $0xFFFF  }
0x15f: {  	_ =	strace $0x90000047  }
0x160: {  	s0 =	stileid.u32;
	[bflag:$0x2] =	sbarrier.arrive $0xFFFF  }
0x161: {  	p0 =	sne.s32 s0, $0x0;
	s0 =	rddreg [dreg:$0x3]  }
0x162: {  	s0 =	sadd.s32 @!p0 $0x100000, s0  }
0x163: {  	[sflag:s0] =	ssyncadd.tile.s32 @!p0 $0x1;
	_ =	shalt  }
.Lfunc_end2:
_tile_overlayer_lowered:
.L_overlay_start_2:
0x164: {  	(tag) =	ssettag $0x2  }
0x165: {  	s0 =	rddreg [dreg:$0x0];
	s2 =	stileid.u32  }
0x166: {  	s1 =	rddreg [dreg:$0x1];
	p0 =	sne.s32 s2, $0x0  }
0x167: {  	s3 =	rddreg [dreg:$0x2];
	[bflag:$0x3] =	sbarrier.arrive $0xFFFF;
	s2 =	simm.s32 @!p0 $0x1C09  }
0x168: {  	[timem:s3], [sflag:s2] =	dma.local @!p0 [hbm:s0], s1  }
0x169: {  	s0 =	simm.s32 @!p0 $0x9  }
0x16a: {  	_ =	swait.ge @!p0 [sflag:s0], s1  }
0x16b: {  	s1 =	ssub.s32 @!p0 $0x0, s1;
	[sflag:s0] =	ssyncset.done @!p0 $0x0  }
0x16c: {  	[sflag:s0] =	ssyncadd.s32 @!p0 s1  }
0x16d: {  	[bflag:$0x3] =	sbarrier.arrive $0xFFFF  }
0x16e: {  	_ =	shalt  }

</sc_bundles>
